<compile_context>
chip_gen: v7x
topology: tpu7x:2x2x1
jax: 0.10.2.dev20260603
libtpu: 0.0.44.dev20260713+nightly
codegen_flags: <defaults>
</compile_context>

<pallas_src>
import functools

import jax
import jax.numpy as jnp
from jax import lax
from jax.experimental import pallas as pl
from jax.experimental.pallas import tpu as pltpu
from jax.experimental.pallas import tpu_sc as plsc

_N = 10000
_E = 320000
_LAYERS = 3
_LANES = 16
_NTILES = 16
_NPAD = 10240
_EPT = _E // _NTILES
_EALN = 128
_EBUF = 20096
_SLICE = _NPAD // _NTILES


def _sybil_body(x_hbm, edge_hbm, inv_hbm, out_hbm,
                h_v, acc_v, ed_v, inv_v, tmp_v, red_v,
                stage_sp, g_sp, sem1):
    wid = lax.axis_index("s")
    base_e = wid * _EPT
    base_n = wid * _SLICE

    start_e = pl.multiple_of(base_e // _EALN * _EALN, _EALN)
    delta = base_e - start_e
    pltpu.sync_copy(edge_hbm.at[:, pl.ds(start_e, _EBUF)], ed_v)
    pltpu.sync_copy(inv_hbm.at[pl.ds(base_n, _SLICE)], inv_v)

    pltpu.sync_copy(x_hbm.at[pl.ds(base_n, _SLICE)], red_v)

    @plsc.parallel_loop(0, _SLICE // _LANES, unroll=4)
    def scale_x_step(j):
        sl = pl.ds(j * _LANES, _LANES)
        red_v[sl] = red_v[sl] * inv_v[sl]

    pltpu.sync_copy(red_v, g_sp.at[pl.ds(base_n, _SLICE)])
    plsc.subcore_barrier()

    zero = jnp.zeros((_LANES,), jnp.float32)
    for layer in range(_LAYERS):
        cp_h = pltpu.async_copy(g_sp, h_v, sem1)

        @plsc.parallel_loop(0, _NPAD // _LANES, unroll=8)
        def clear_step(i):
            acc_v[pl.ds(i * _LANES, _LANES)] = zero

        cp_h.wait()

        @plsc.parallel_loop(0, _EPT // _LANES, unroll=16)
        def edge_step(i):
            sl = pl.ds(delta + i * _LANES, _LANES)
            s = ed_v[0, sl]
            d = ed_v[1, sl]
            vals = plsc.load_gather(h_v, [s])
            plsc.addupdate_scatter(acc_v, [d], vals)

        pltpu.sync_copy(acc_v, stage_sp.at[wid])
        plsc.subcore_barrier()
        pltpu.sync_copy(stage_sp.at[:, pl.ds(base_n, _SLICE)], tmp_v)

        if layer < _LAYERS - 1:
            @plsc.parallel_loop(0, _SLICE // _LANES, unroll=2)
            def red_scale_step(j):
                sl = pl.ds(j * _LANES, _LANES)
                acc16 = tmp_v[0, sl]
                for k in range(1, _NTILES):
                    acc16 = acc16 + tmp_v[k, sl]
                red_v[sl] = acc16 * inv_v[sl]

            pltpu.sync_copy(red_v, g_sp.at[pl.ds(base_n, _SLICE)])
            plsc.subcore_barrier()
        else:
            @plsc.parallel_loop(0, _SLICE // _LANES, unroll=2)
            def red_step(j):
                sl = pl.ds(j * _LANES, _LANES)
                acc16 = tmp_v[0, sl]
                for k in range(1, _NTILES):
                    acc16 = acc16 + tmp_v[k, sl]
                red_v[sl] = acc16

            pltpu.sync_copy(red_v, out_hbm.at[pl.ds(base_n, _SLICE)])


@jax.jit
def _sybil_call(xp, edge_index, inv):
    mesh = plsc.VectorSubcoreMesh(
        core_axis_name="c", subcore_axis_name="s", num_cores=1)
    run = functools.partial(
        pl.kernel,
        out_type=jax.ShapeDtypeStruct((_NPAD,), jnp.float32),
        mesh=mesh,
        scratch_types=[
            pltpu.VMEM((_NPAD,), jnp.float32),
            pltpu.VMEM((_NPAD,), jnp.float32),
            pltpu.VMEM((2, _EBUF), jnp.int32),
            pltpu.VMEM((_SLICE,), jnp.float32),
            pltpu.VMEM((_NTILES, _SLICE), jnp.float32),
            pltpu.VMEM((_SLICE,), jnp.float32),
            pltpu.VMEM_SHARED((_NTILES, _NPAD), jnp.float32),
            pltpu.VMEM_SHARED((_NPAD,), jnp.float32),
            pltpu.SemaphoreType.DMA,
        ],
        compiler_params=pltpu.CompilerParams(needs_layout_passes=False),
    )(_sybil_body)
    return run(xp, edge_index, inv)


def kernel(x, edge_index, neighbor_index):
    xp = jnp.zeros((_NPAD,), jnp.float32).at[:_N].set(x[:, 0])
    inv = jnp.ones((_NPAD,), jnp.float32).at[:_N].set(
        1.0 / neighbor_index.astype(jnp.float32))
    out = _sybil_call(xp, edge_index, inv)
    return out[:_N, None]

# --- scband reference (transcript-rebuilt; emitter-appended) ---
"""Pipeline reference for scband-sybil-rank-model-89781996355920 (READ-ONLY COPY).

The authoritative reference and input builder live on the scoring server;
editing this copy changes nothing except your own understanding.
"""

import jax, jax.numpy as jnp
import numpy as np

N = 10000
E = 320000
NUM_LAYERS = 3
DEGREE = 32.0


def setup_inputs(seed: int = 0) -> dict:
    key = jax.random.key(seed)
    k1, k2 = jax.random.split(key)
    x = jax.random.normal(k1, (N, 1), dtype=jnp.float32)
    edge_index = jax.random.randint(k2, (2, E), 0, N, dtype=jnp.int32)
    # neighbor_index: per-node degree list passed to __init__ in the torch module;
    # materialized here as a constant-degree float array of length N.
    neighbor_index = jnp.full((N,), DEGREE, dtype=jnp.float32)
    return {"x": x, "edge_index": edge_index, "neighbor_index": neighbor_index}


def reference(x, edge_index, neighbor_index):
    # SybilRankModel.forward: per layer, first divide each node value by its
    # neighbor count, then run GCNConv(in=1, out=1, bias=False, aggr='sum',
    # normalize=False) whose linear weight is frozen to [[1.0]] (identity).
    # With normalize=False PyG adds no self-loops and applies no gcn_norm, so
    # the layer reduces to: out[dst] += h[src] over all edges.
    src = edge_index[0]
    dst = edge_index[1]
    h = x
    for _ in range(NUM_LAYERS):
        h = h / neighbor_index[:, None]
        msgs = jnp.take(h, src, axis=0)          # gather along src nodes
        h = jnp.zeros((N, h.shape[1]), dtype=h.dtype).at[dst].add(msgs)  # scatter-add into dst nodes
    return h

if __name__ == "__main__":
    import jax
    _d = setup_inputs()
    print(jax.jit(kernel)(*tuple(_d.values())))

</pallas_src>

<mosaic_0001>
#map = affine_map<(d0, d1) -> (0)>
#map1 = affine_map<(d0, d1) -> (0, 0)>
module attributes {stable_mosaic.version = 14 : i64} {
  func.func @_sybil_body(%arg0: i32, %arg1: i32, %arg2: memref<10240xf32, #tpu.memory_space<hbm>>, %arg3: memref<2x320000xi32, #tpu.memory_space<hbm>>, %arg4: memref<10240xf32, #tpu.memory_space<hbm>>, %arg5: memref<10240xf32, #tpu.memory_space<hbm>>, %arg6: memref<10240xf32, #tpu.memory_space<vmem>>, %arg7: memref<10240xf32, #tpu.memory_space<vmem>>, %arg8: memref<2x20096xi32, #tpu.memory_space<vmem>>, %arg9: memref<640xf32, #tpu.memory_space<vmem>>, %arg10: memref<16x640xf32, #tpu.memory_space<vmem>>, %arg11: memref<640xf32, #tpu.memory_space<vmem>>, %arg12: memref<16x10240xf32, #tpu.memory_space<vmem_shared>>, %arg13: memref<10240xf32, #tpu.memory_space<vmem_shared>>, %arg14: memref<!tpu.dma_semaphore, #tpu.memory_space<semaphore_mem>>) attributes {dimension_semantics = [#tpu.dimension_semantics<core_parallel>, #tpu.dimension_semantics<subcore_parallel>], iteration_bounds = array<i64: 1, 16>, scalar_prefetch = 0 : i64, scratch_operands = 9 : i64, tpu.core_type = #tpu.core_type<sc_vector_subcore>, window_params = [{transform_indices = #map}, {transform_indices = #map1}, {transform_indices = #map}, {transform_indices = #map}]} {
    %mul3A = arith.constant 20000 : i32
    %mul3A_0 = arith.muli %arg1, %mul3A : i32
    %mul3A_1 = arith.constant 640 : i32
    %mul3A_2 = arith.muli %arg1, %mul3A_1 : i32
    %jit3A = arith.constant 128 : i32
    %div3A = arith.divsi %mul3A_0, %jit3A : i32
    %sign3A = arith.constant 0 : i32
    %sign3A_3 = arith.cmpi sgt, %mul3A_0, %sign3A : i32
    %sign3A_4 = arith.extui %sign3A_3 : i1 to i32
    %sign3A_5 = arith.constant 0 : i32
    %sign3A_6 = arith.cmpi slt, %mul3A_0, %sign3A_5 : i32
    %sign3A_7 = arith.extui %sign3A_6 : i1 to i32
    %sign3A_8 = arith.subi %sign3A_4, %sign3A_7 : i32
    %sign3A_9 = arith.constant 0 : i32
    %sign3A_10 = arith.cmpi sgt, %jit3A, %sign3A_9 : i32
    %sign3A_11 = arith.extui %sign3A_10 : i1 to i32
    %sign3A_12 = arith.constant 0 : i32
    %sign3A_13 = arith.cmpi slt, %jit3A, %sign3A_12 : i32
    %sign3A_14 = arith.extui %sign3A_13 : i1 to i32
    %sign3A_15 = arith.subi %sign3A_11, %sign3A_14 : i32
    %ne3A = arith.cmpi ne, %sign3A_8, %sign3A_15 : i32
    %rem3A = arith.remsi %mul3A_0, %jit3A : i32
    %ne3A_16 = arith.constant 0 : i32
    %ne3A_17 = arith.cmpi ne, %rem3A, %ne3A_16 : i32
    %and3A = arith.andi %ne3A, %ne3A_17 : i1
    %sub3A = arith.constant 1 : i32
    %sub3A_18 = arith.subi %div3A, %sub3A : i32
    %select_n3A = arith.select %and3A, %sub3A_18, %div3A : i32
    %mul3A_19 = arith.constant 128 : i32
    %mul3A_20 = arith.muli %select_n3A, %mul3A_19 : i32
    %multiple_of3A = tpu.assume_multiple %mul3A_20, 128 : i32
    %sub3A_21 = arith.subi %mul3A_0, %multiple_of3A : i32
    "tpu.region"() ({
      %run_scoped3A = tpu.sem_alloc : memref<!tpu.dma_semaphore, #tpu.memory_space<semaphore_mem>>
      %dma_start3A = arith.constant 0 : i32
      %dma_start3A_57 = tpu.memref_slice %arg3[%dma_start3A, %multiple_of3A] : memref<2x320000xi32, #tpu.memory_space<hbm>> -> memref<2x20096xi32, #tpu.memory_space<hbm>>
      %dma_start3A_58 = arith.constant 0 : i32
      %dma_start3A_59 = tpu.memref_slice %arg3[%dma_start3A_58, %multiple_of3A] : memref<2x320000xi32, #tpu.memory_space<hbm>> -> memref<2x20096xi32, #tpu.memory_space<hbm>>
      tpu.enqueue_dma source(%dma_start3A_59 : memref<2x20096xi32, #tpu.memory_space<hbm>>) target(%arg8 : memref<2x20096xi32, #tpu.memory_space<vmem>>) target_semaphore(%run_scoped3A : memref<!tpu.dma_semaphore, #tpu.memory_space<semaphore_mem>>)
      %dma_wait3A = arith.constant 0 : i32
      %dma_wait3A_60 = tpu.memref_slice %arg3[%dma_wait3A, %multiple_of3A] : memref<2x320000xi32, #tpu.memory_space<hbm>> -> memref<2x20096xi32, #tpu.memory_space<hbm>>
      %dma_wait3A_61 = arith.constant 0 : i32
      %dma_wait3A_62 = tpu.memref_slice %arg3[%dma_wait3A_61, %multiple_of3A] : memref<2x320000xi32, #tpu.memory_space<hbm>> -> memref<2x20096xi32, #tpu.memory_space<hbm>>
      tpu.wait_dma2 semaphore(%run_scoped3A : memref<!tpu.dma_semaphore, #tpu.memory_space<semaphore_mem>>) src(%dma_wait3A_62 : memref<2x20096xi32, #tpu.memory_space<hbm>>) dst(%arg8 : memref<2x20096xi32, #tpu.memory_space<vmem>>)
      tpu.yield
    }) : () -> ()
    "tpu.region"() ({
      %run_scoped3A = tpu.sem_alloc : memref<!tpu.dma_semaphore, #tpu.memory_space<semaphore_mem>>
      %dma_start3A = tpu.memref_slice %arg4[%mul3A_2] : memref<10240xf32, #tpu.memory_space<hbm>> -> memref<640xf32, #tpu.memory_space<hbm>>
      %dma_start3A_57 = tpu.memref_slice %arg4[%mul3A_2] : memref<10240xf32, #tpu.memory_space<hbm>> -> memref<640xf32, #tpu.memory_space<hbm>>
      tpu.enqueue_dma source(%dma_start3A_57 : memref<640xf32, #tpu.memory_space<hbm>>) target(%arg9 : memref<640xf32, #tpu.memory_space<vmem>>) target_semaphore(%run_scoped3A : memref<!tpu.dma_semaphore, #tpu.memory_space<semaphore_mem>>)
      %dma_wait3A = tpu.memref_slice %arg4[%mul3A_2] : memref<10240xf32, #tpu.memory_space<hbm>> -> memref<640xf32, #tpu.memory_space<hbm>>
      %dma_wait3A_58 = tpu.memref_slice %arg4[%mul3A_2] : memref<10240xf32, #tpu.memory_space<hbm>> -> memref<640xf32, #tpu.memory_space<hbm>>
      tpu.wait_dma2 semaphore(%run_scoped3A : memref<!tpu.dma_semaphore, #tpu.memory_space<semaphore_mem>>) src(%dma_wait3A_58 : memref<640xf32, #tpu.memory_space<hbm>>) dst(%arg9 : memref<640xf32, #tpu.memory_space<vmem>>)
      tpu.yield
    }) : () -> ()
    "tpu.region"() ({
      %run_scoped3A = tpu.sem_alloc : memref<!tpu.dma_semaphore, #tpu.memory_space<semaphore_mem>>
      %dma_start3A = tpu.memref_slice %arg2[%mul3A_2] : memref<10240xf32, #tpu.memory_space<hbm>> -> memref<640xf32, #tpu.memory_space<hbm>>
      %dma_start3A_57 = tpu.memref_slice %arg2[%mul3A_2] : memref<10240xf32, #tpu.memory_space<hbm>> -> memref<640xf32, #tpu.memory_space<hbm>>
      tpu.enqueue_dma source(%dma_start3A_57 : memref<640xf32, #tpu.memory_space<hbm>>) target(%arg11 : memref<640xf32, #tpu.memory_space<vmem>>) target_semaphore(%run_scoped3A : memref<!tpu.dma_semaphore, #tpu.memory_space<semaphore_mem>>)
      %dma_wait3A = tpu.memref_slice %arg2[%mul3A_2] : memref<10240xf32, #tpu.memory_space<hbm>> -> memref<640xf32, #tpu.memory_space<hbm>>
      %dma_wait3A_58 = tpu.memref_slice %arg2[%mul3A_2] : memref<10240xf32, #tpu.memory_space<hbm>> -> memref<640xf32, #tpu.memory_space<hbm>>
      tpu.wait_dma2 semaphore(%run_scoped3A : memref<!tpu.dma_semaphore, #tpu.memory_space<semaphore_mem>>) src(%dma_wait3A_58 : memref<640xf32, #tpu.memory_space<hbm>>) dst(%arg11 : memref<640xf32, #tpu.memory_space<vmem>>)
      tpu.yield
    }) : () -> ()
    %parallel_loop3A = arith.constant 0 : i32
    %parallel_loop3A_22 = arith.constant 40 : i32
    %parallel_loop3A_23 = arith.constant 1 : i32
    scf.for %parallel_loop3A_57 = %parallel_loop3A to %parallel_loop3A_22 step %parallel_loop3A_23  : i32 {
      %parallel_loop3A_58 = arith.constant 16 : i32
      %parallel_loop3A_59 = arith.muli %parallel_loop3A_57, %parallel_loop3A_58 : i32
      %parallel_loop3A_60 = arith.index_cast %parallel_loop3A_59 : i32 to index
      %parallel_loop3A_61 = tpu.vector_load %arg11[%parallel_loop3A_60] {strides = array<i32>} : memref<640xf32, #tpu.memory_space<vmem>>, vector<16xf32>,
      %parallel_loop3A_62 = arith.index_cast %parallel_loop3A_59 : i32 to index
      %parallel_loop3A_63 = tpu.vector_load %arg9[%parallel_loop3A_62] {strides = array<i32>} : memref<640xf32, #tpu.memory_space<vmem>>, vector<16xf32>,
      %parallel_loop3A_64 = arith.mulf %parallel_loop3A_61, %parallel_loop3A_63 : vector<16xf32>
      %parallel_loop3A_65 = arith.index_cast %parallel_loop3A_59 : i32 to index
      %parallel_loop3A_66 = tpu.vector_load %arg11[%parallel_loop3A_65] {strides = array<i32>} : memref<640xf32, #tpu.memory_space<vmem>>, vector<16xf32>,
      tpu.vector_store %arg11[%parallel_loop3A_65], %parallel_loop3A_64 {strides = array<i32>} : memref<640xf32, #tpu.memory_space<vmem>>, vector<16xf32>,
    } {sc.loop_unroll_factor = 4 : i64, sc.parallel_access}
    "tpu.region"() ({
      %run_scoped3A = tpu.sem_alloc : memref<!tpu.dma_semaphore, #tpu.memory_space<semaphore_mem>>
      %dma_start3A = tpu.memref_slice %arg13[%mul3A_2] : memref<10240xf32, #tpu.memory_space<vmem_shared>> -> memref<640xf32, #tpu.memory_space<vmem_shared>>
      %dma_start3A_57 = tpu.memref_slice %arg13[%mul3A_2] : memref<10240xf32, #tpu.memory_space<vmem_shared>> -> memref<640xf32, #tpu.memory_space<vmem_shared>>
      tpu.enqueue_dma source(%arg11 : memref<640xf32, #tpu.memory_space<vmem>>) target(%dma_start3A_57 : memref<640xf32, #tpu.memory_space<vmem_shared>>) target_semaphore(%run_scoped3A : memref<!tpu.dma_semaphore, #tpu.memory_space<semaphore_mem>>)
      %dma_wait3A = tpu.memref_slice %arg13[%mul3A_2] : memref<10240xf32, #tpu.memory_space<vmem_shared>> -> memref<640xf32, #tpu.memory_space<vmem_shared>>
      %dma_wait3A_58 = tpu.memref_slice %arg13[%mul3A_2] : memref<10240xf32, #tpu.memory_space<vmem_shared>> -> memref<640xf32, #tpu.memory_space<vmem_shared>>
      tpu.wait_dma2 semaphore(%run_scoped3A : memref<!tpu.dma_semaphore, #tpu.memory_space<semaphore_mem>>) src(%arg11 : memref<640xf32, #tpu.memory_space<vmem>>) dst(%dma_wait3A_58 : memref<640xf32, #tpu.memory_space<vmem_shared>>)
      tpu.yield
    }) : () -> ()
    %barrier3A = arith.constant 0 : index
    tpu.barrier barrier_id(%barrier3A)
    %broadcast_in_dim3A = arith.constant 0.000000e+00 : f32
    %broadcast_in_dim3A_24 = vector.broadcast %broadcast_in_dim3A : f32 to vector<16xf32>
    tpu.enqueue_dma source(%arg13 : memref<10240xf32, #tpu.memory_space<vmem_shared>>) target(%arg6 : memref<10240xf32, #tpu.memory_space<vmem>>) target_semaphore(%arg14 : memref<!tpu.dma_semaphore, #tpu.memory_space<semaphore_mem>>)
    %parallel_loop3A_25 = arith.constant 0 : i32
    %parallel_loop3A_26 = arith.constant 640 : i32
    %parallel_loop3A_27 = arith.constant 1 : i32
    scf.for %parallel_loop3A_57 = %parallel_loop3A_25 to %parallel_loop3A_26 step %parallel_loop3A_27  : i32 {
      %parallel_loop3A_58 = arith.constant 16 : i32
      %parallel_loop3A_59 = arith.muli %parallel_loop3A_57, %parallel_loop3A_58 : i32
      %parallel_loop3A_60 = arith.index_cast %parallel_loop3A_59 : i32 to index
      %parallel_loop3A_61 = tpu.vector_load %arg7[%parallel_loop3A_60] {strides = array<i32>} : memref<10240xf32, #tpu.memory_space<vmem>>, vector<16xf32>,
      tpu.vector_store %arg7[%parallel_loop3A_60], %broadcast_in_dim3A_24 {strides = array<i32>} : memref<10240xf32, #tpu.memory_space<vmem>>, vector<16xf32>,
    } {sc.loop_unroll_factor = 8 : i64, sc.parallel_access}
    tpu.wait_dma2 semaphore(%arg14 : memref<!tpu.dma_semaphore, #tpu.memory_space<semaphore_mem>>) src(%arg13 : memref<10240xf32, #tpu.memory_space<vmem_shared>>) dst(%arg6 : memref<10240xf32, #tpu.memory_space<vmem>>)
    %parallel_loop3A_28 = arith.constant 0 : i32
    %parallel_loop3A_29 = arith.constant 1250 : i32
    %parallel_loop3A_30 = arith.constant 1 : i32
    scf.for %parallel_loop3A_57 = %parallel_loop3A_28 to %parallel_loop3A_29 step %parallel_loop3A_30  : i32 {
      %parallel_loop3A_58 = arith.constant 16 : i32
      %parallel_loop3A_59 = arith.muli %parallel_loop3A_57, %parallel_loop3A_58 : i32
      %parallel_loop3A_60 = arith.addi %sub3A_21, %parallel_loop3A_59 : i32
      %parallel_loop3A_61 = arith.constant 0 : i32
      %parallel_loop3A_62 = arith.index_cast %parallel_loop3A_61 : i32 to index
      %parallel_loop3A_63 = arith.index_cast %parallel_loop3A_60 : i32 to index
      %parallel_loop3A_64 = tpu.vector_load %arg8[%parallel_loop3A_62, %parallel_loop3A_63] {strides = array<i32>} : memref<2x20096xi32, #tpu.memory_space<vmem>>, vector<16xi32>,
      %parallel_loop3A_65 = arith.constant 1 : i32
      %parallel_loop3A_66 = arith.index_cast %parallel_loop3A_65 : i32 to index
      %parallel_loop3A_67 = arith.index_cast %parallel_loop3A_60 : i32 to index
      %parallel_loop3A_68 = tpu.vector_load %arg8[%parallel_loop3A_66, %parallel_loop3A_67] {strides = array<i32>} : memref<2x20096xi32, #tpu.memory_space<vmem>>, vector<16xi32>,
      %parallel_loop3A_69 = tpu.vector_load_idx %arg6[%parallel_loop3A_64] : memref<10240xf32, #tpu.memory_space<vmem>>[vector<16xi32>], vector<16xf32>,
      tpu.vector_store_idx %arg7[%parallel_loop3A_68], %parallel_loop3A_69 {add = true} : memref<10240xf32, #tpu.memory_space<vmem>>[vector<16xi32>], vector<16xf32>,
    } {sc.loop_unroll_factor = 16 : i64, sc.parallel_access}
    "tpu.region"() ({
      %run_scoped3A = tpu.sem_alloc : memref<!tpu.dma_semaphore, #tpu.memory_space<semaphore_mem>>
      %dma_start3A = arith.constant 0 : i32
      %dma_start3A_57 = tpu.memref_slice %arg12[%arg1, %dma_start3A] : memref<16x10240xf32, #tpu.memory_space<vmem_shared>> -> memref<1x10240xf32, #tpu.memory_space<vmem_shared>>
      %dma_start3A_58 = tpu.memref_squeeze %dma_start3A_57 : memref<1x10240xf32, #tpu.memory_space<vmem_shared>> -> memref<10240xf32, #tpu.memory_space<vmem_shared>>
      %dma_start3A_59 = arith.constant 0 : i32
      %dma_start3A_60 = tpu.memref_slice %arg12[%arg1, %dma_start3A_59] : memref<16x10240xf32, #tpu.memory_space<vmem_shared>> -> memref<1x10240xf32, #tpu.memory_space<vmem_shared>>
      %dma_start3A_61 = tpu.memref_squeeze %dma_start3A_60 : memref<1x10240xf32, #tpu.memory_space<vmem_shared>> -> memref<10240xf32, #tpu.memory_space<vmem_shared>>
      tpu.enqueue_dma source(%arg7 : memref<10240xf32, #tpu.memory_space<vmem>>) target(%dma_start3A_61 : memref<10240xf32, #tpu.memory_space<vmem_shared>>) target_semaphore(%run_scoped3A : memref<!tpu.dma_semaphore, #tpu.memory_space<semaphore_mem>>)
      %dma_wait3A = arith.constant 0 : i32
      %dma_wait3A_62 = tpu.memref_slice %arg12[%arg1, %dma_wait3A] : memref<16x10240xf32, #tpu.memory_space<vmem_shared>> -> memref<1x10240xf32, #tpu.memory_space<vmem_shared>>
      %dma_wait3A_63 = tpu.memref_squeeze %dma_wait3A_62 : memref<1x10240xf32, #tpu.memory_space<vmem_shared>> -> memref<10240xf32, #tpu.memory_space<vmem_shared>>
      %dma_wait3A_64 = arith.constant 0 : i32
      %dma_wait3A_65 = tpu.memref_slice %arg12[%arg1, %dma_wait3A_64] : memref<16x10240xf32, #tpu.memory_space<vmem_shared>> -> memref<1x10240xf32, #tpu.memory_space<vmem_shared>>
      %dma_wait3A_66 = tpu.memref_squeeze %dma_wait3A_65 : memref<1x10240xf32, #tpu.memory_space<vmem_shared>> -> memref<10240xf32, #tpu.memory_space<vmem_shared>>
      tpu.wait_dma2 semaphore(%run_scoped3A : memref<!tpu.dma_semaphore, #tpu.memory_space<semaphore_mem>>) src(%arg7 : memref<10240xf32, #tpu.memory_space<vmem>>) dst(%dma_wait3A_66 : memref<10240xf32, #tpu.memory_space<vmem_shared>>)
      tpu.yield
    }) : () -> ()
    %barrier3A_31 = arith.constant 0 : index
    tpu.barrier barrier_id(%barrier3A_31)
    "tpu.region"() ({
      %run_scoped3A = tpu.sem_alloc : memref<!tpu.dma_semaphore, #tpu.memory_space<semaphore_mem>>
      %dma_start3A = arith.constant 0 : i32
      %dma_start3A_57 = tpu.memref_slice %arg12[%dma_start3A, %mul3A_2] : memref<16x10240xf32, #tpu.memory_space<vmem_shared>> -> memref<16x640xf32, #tpu.memory_space<vmem_shared>>
      %dma_start3A_58 = arith.constant 0 : i32
      %dma_start3A_59 = tpu.memref_slice %arg12[%dma_start3A_58, %mul3A_2] : memref<16x10240xf32, #tpu.memory_space<vmem_shared>> -> memref<16x640xf32, #tpu.memory_space<vmem_shared>>
      tpu.enqueue_dma source(%dma_start3A_59 : memref<16x640xf32, #tpu.memory_space<vmem_shared>>) target(%arg10 : memref<16x640xf32, #tpu.memory_space<vmem>>) target_semaphore(%run_scoped3A : memref<!tpu.dma_semaphore, #tpu.memory_space<semaphore_mem>>)
      %dma_wait3A = arith.constant 0 : i32
      %dma_wait3A_60 = tpu.memref_slice %arg12[%dma_wait3A, %mul3A_2] : memref<16x10240xf32, #tpu.memory_space<vmem_shared>> -> memref<16x640xf32, #tpu.memory_space<vmem_shared>>
      %dma_wait3A_61 = arith.constant 0 : i32
      %dma_wait3A_62 = tpu.memref_slice %arg12[%dma_wait3A_61, %mul3A_2] : memref<16x10240xf32, #tpu.memory_space<vmem_shared>> -> memref<16x640xf32, #tpu.memory_space<vmem_shared>>
      tpu.wait_dma2 semaphore(%run_scoped3A : memref<!tpu.dma_semaphore, #tpu.memory_space<semaphore_mem>>) src(%dma_wait3A_62 : memref<16x640xf32, #tpu.memory_space<vmem_shared>>) dst(%arg10 : memref<16x640xf32, #tpu.memory_space<vmem>>)
      tpu.yield
    }) : () -> ()
    %parallel_loop3A_32 = arith.constant 0 : i32
    %parallel_loop3A_33 = arith.constant 40 : i32
    %parallel_loop3A_34 = arith.constant 1 : i32
    scf.for %parallel_loop3A_57 = %parallel_loop3A_32 to %parallel_loop3A_33 step %parallel_loop3A_34  : i32 {
      %parallel_loop3A_58 = arith.constant 16 : i32
      %parallel_loop3A_59 = arith.muli %parallel_loop3A_57, %parallel_loop3A_58 : i32
      %parallel_loop3A_60 = arith.constant 0 : i32
      %parallel_loop3A_61 = arith.index_cast %parallel_loop3A_60 : i32 to index
      %parallel_loop3A_62 = arith.index_cast %parallel_loop3A_59 : i32 to index
      %parallel_loop3A_63 = tpu.vector_load %arg10[%parallel_loop3A_61, %parallel_loop3A_62] {strides = array<i32>} : memref<16x640xf32, #tpu.memory_space<vmem>>, vector<16xf32>,
      %parallel_loop3A_64 = arith.constant 1 : i32
      %parallel_loop3A_65 = arith.index_cast %parallel_loop3A_64 : i32 to index
      %parallel_loop3A_66 = arith.index_cast %parallel_loop3A_59 : i32 to index
      %parallel_loop3A_67 = tpu.vector_load %arg10[%parallel_loop3A_65, %parallel_loop3A_66] {strides = array<i32>} : memref<16x640xf32, #tpu.memory_space<vmem>>, vector<16xf32>,
      %parallel_loop3A_68 = arith.addf %parallel_loop3A_63, %parallel_loop3A_67 : vector<16xf32>
      %parallel_loop3A_69 = arith.constant 2 : i32
      %parallel_loop3A_70 = arith.index_cast %parallel_loop3A_69 : i32 to index
      %parallel_loop3A_71 = arith.index_cast %parallel_loop3A_59 : i32 to index
      %parallel_loop3A_72 = tpu.vector_load %arg10[%parallel_loop3A_70, %parallel_loop3A_71] {strides = array<i32>} : memref<16x640xf32, #tpu.memory_space<vmem>>, vector<16xf32>,
      %parallel_loop3A_73 = arith.addf %parallel_loop3A_68, %parallel_loop3A_72 : vector<16xf32>
      %parallel_loop3A_74 = arith.constant 3 : i32
      %parallel_loop3A_75 = arith.index_cast %parallel_loop3A_74 : i32 to index
      %parallel_loop3A_76 = arith.index_cast %parallel_loop3A_59 : i32 to index
      %parallel_loop3A_77 = tpu.vector_load %arg10[%parallel_loop3A_75, %parallel_loop3A_76] {strides = array<i32>} : memref<16x640xf32, #tpu.memory_space<vmem>>, vector<16xf32>,
      %parallel_loop3A_78 = arith.addf %parallel_loop3A_73, %parallel_loop3A_77 : vector<16xf32>
      %parallel_loop3A_79 = arith.constant 4 : i32
      %parallel_loop3A_80 = arith.index_cast %parallel_loop3A_79 : i32 to index
      %parallel_loop3A_81 = arith.index_cast %parallel_loop3A_59 : i32 to index
      %parallel_loop3A_82 = tpu.vector_load %arg10[%parallel_loop3A_80, %parallel_loop3A_81] {strides = array<i32>} : memref<16x640xf32, #tpu.memory_space<vmem>>, vector<16xf32>,
      %parallel_loop3A_83 = arith.addf %parallel_loop3A_78, %parallel_loop3A_82 : vector<16xf32>
      %parallel_loop3A_84 = arith.constant 5 : i32
      %parallel_loop3A_85 = arith.index_cast %parallel_loop3A_84 : i32 to index
      %parallel_loop3A_86 = arith.index_cast %parallel_loop3A_59 : i32 to index
      %parallel_loop3A_87 = tpu.vector_load %arg10[%parallel_loop3A_85, %parallel_loop3A_86] {strides = array<i32>} : memref<16x640xf32, #tpu.memory_space<vmem>>, vector<16xf32>,
      %parallel_loop3A_88 = arith.addf %parallel_loop3A_83, %parallel_loop3A_87 : vector<16xf32>
      %parallel_loop3A_89 = arith.constant 6 : i32
      %parallel_loop3A_90 = arith.index_cast %parallel_loop3A_89 : i32 to index
      %parallel_loop3A_91 = arith.index_cast %parallel_loop3A_59 : i32 to index
      %parallel_loop3A_92 = tpu.vector_load %arg10[%parallel_loop3A_90, %parallel_loop3A_91] {strides = array<i32>} : memref<16x640xf32, #tpu.memory_space<vmem>>, vector<16xf32>,
      %parallel_loop3A_93 = arith.addf %parallel_loop3A_88, %parallel_loop3A_92 : vector<16xf32>
      %parallel_loop3A_94 = arith.constant 7 : i32
      %parallel_loop3A_95 = arith.index_cast %parallel_loop3A_94 : i32 to index
      %parallel_loop3A_96 = arith.index_cast %parallel_loop3A_59 : i32 to index
      %parallel_loop3A_97 = tpu.vector_load %arg10[%parallel_loop3A_95, %parallel_loop3A_96] {strides = array<i32>} : memref<16x640xf32, #tpu.memory_space<vmem>>, vector<16xf32>,
      %parallel_loop3A_98 = arith.addf %parallel_loop3A_93, %parallel_loop3A_97 : vector<16xf32>
      %parallel_loop3A_99 = arith.constant 8 : i32
      %parallel_loop3A_100 = arith.index_cast %parallel_loop3A_99 : i32 to index
      %parallel_loop3A_101 = arith.index_cast %parallel_loop3A_59 : i32 to index
      %parallel_loop3A_102 = tpu.vector_load %arg10[%parallel_loop3A_100, %parallel_loop3A_101] {strides = array<i32>} : memref<16x640xf32, #tpu.memory_space<vmem>>, vector<16xf32>,
      %parallel_loop3A_103 = arith.addf %parallel_loop3A_98, %parallel_loop3A_102 : vector<16xf32>
      %parallel_loop3A_104 = arith.constant 9 : i32
      %parallel_loop3A_105 = arith.index_cast %parallel_loop3A_104 : i32 to index
      %parallel_loop3A_106 = arith.index_cast %parallel_loop3A_59 : i32 to index
      %parallel_loop3A_107 = tpu.vector_load %arg10[%parallel_loop3A_105, %parallel_loop3A_106] {strides = array<i32>} : memref<16x640xf32, #tpu.memory_space<vmem>>, vector<16xf32>,
      %parallel_loop3A_108 = arith.addf %parallel_loop3A_103, %parallel_loop3A_107 : vector<16xf32>
      %parallel_loop3A_109 = arith.constant 10 : i32
      %parallel_loop3A_110 = arith.index_cast %parallel_loop3A_109 : i32 to index
      %parallel_loop3A_111 = arith.index_cast %parallel_loop3A_59 : i32 to index
      %parallel_loop3A_112 = tpu.vector_load %arg10[%parallel_loop3A_110, %parallel_loop3A_111] {strides = array<i32>} : memref<16x640xf32, #tpu.memory_space<vmem>>, vector<16xf32>,
      %parallel_loop3A_113 = arith.addf %parallel_loop3A_108, %parallel_loop3A_112 : vector<16xf32>
      %parallel_loop3A_114 = arith.constant 11 : i32
      %parallel_loop3A_115 = arith.index_cast %parallel_loop3A_114 : i32 to index
      %parallel_loop3A_116 = arith.index_cast %parallel_loop3A_59 : i32 to index
      %parallel_loop3A_117 = tpu.vector_load %arg10[%parallel_loop3A_115, %parallel_loop3A_116] {strides = array<i32>} : memref<16x640xf32, #tpu.memory_space<vmem>>, vector<16xf32>,
      %parallel_loop3A_118 = arith.addf %parallel_loop3A_113, %parallel_loop3A_117 : vector<16xf32>
      %parallel_loop3A_119 = arith.constant 12 : i32
      %parallel_loop3A_120 = arith.index_cast %parallel_loop3A_119 : i32 to index
      %parallel_loop3A_121 = arith.index_cast %parallel_loop3A_59 : i32 to index
      %parallel_loop3A_122 = tpu.vector_load %arg10[%parallel_loop3A_120, %parallel_loop3A_121] {strides = array<i32>} : memref<16x640xf32, #tpu.memory_space<vmem>>, vector<16xf32>,
      %parallel_loop3A_123 = arith.addf %parallel_loop3A_118, %parallel_loop3A_122 : vector<16xf32>
      %parallel_loop3A_124 = arith.constant 13 : i32
      %parallel_loop3A_125 = arith.index_cast %parallel_loop3A_124 : i32 to index
      %parallel_loop3A_126 = arith.index_cast %parallel_loop3A_59 : i32 to index
      %parallel_loop3A_127 = tpu.vector_load %arg10[%parallel_loop3A_125, %parallel_loop3A_126] {strides = array<i32>} : memref<16x640xf32, #tpu.memory_space<vmem>>, vector<16xf32>,
      %parallel_loop3A_128 = arith.addf %parallel_loop3A_123, %parallel_loop3A_127 : vector<16xf32>
      %parallel_loop3A_129 = arith.constant 14 : i32
      %parallel_loop3A_130 = arith.index_cast %parallel_loop3A_129 : i32 to index
      %parallel_loop3A_131 = arith.index_cast %parallel_loop3A_59 : i32 to index
      %parallel_loop3A_132 = tpu.vector_load %arg10[%parallel_loop3A_130, %parallel_loop3A_131] {strides = array<i32>} : memref<16x640xf32, #tpu.memory_space<vmem>>, vector<16xf32>,
      %parallel_loop3A_133 = arith.addf %parallel_loop3A_128, %parallel_loop3A_132 : vector<16xf32>
      %parallel_loop3A_134 = arith.constant 15 : i32
      %parallel_loop3A_135 = arith.index_cast %parallel_loop3A_134 : i32 to index
      %parallel_loop3A_136 = arith.index_cast %parallel_loop3A_59 : i32 to index
      %parallel_loop3A_137 = tpu.vector_load %arg10[%parallel_loop3A_135, %parallel_loop3A_136] {strides = array<i32>} : memref<16x640xf32, #tpu.memory_space<vmem>>, vector<16xf32>,
      %parallel_loop3A_138 = arith.addf %parallel_loop3A_133, %parallel_loop3A_137 : vector<16xf32>
      %parallel_loop3A_139 = arith.index_cast %parallel_loop3A_59 : i32 to index
      %parallel_loop3A_140 = tpu.vector_load %arg9[%parallel_loop3A_139] {strides = array<i32>} : memref<640xf32, #tpu.memory_space<vmem>>, vector<16xf32>,
      %parallel_loop3A_141 = arith.mulf %parallel_loop3A_138, %parallel_loop3A_140 : vector<16xf32>
      %parallel_loop3A_142 = arith.index_cast %parallel_loop3A_59 : i32 to index
      %parallel_loop3A_143 = tpu.vector_load %arg11[%parallel_loop3A_142] {strides = array<i32>} : memref<640xf32, #tpu.memory_space<vmem>>, vector<16xf32>,
      tpu.vector_store %arg11[%parallel_loop3A_142], %parallel_loop3A_141 {strides = array<i32>} : memref<640xf32, #tpu.memory_space<vmem>>, vector<16xf32>,
    } {sc.loop_unroll_factor = 2 : i64, sc.parallel_access}
    "tpu.region"() ({
      %run_scoped3A = tpu.sem_alloc : memref<!tpu.dma_semaphore, #tpu.memory_space<semaphore_mem>>
      %dma_start3A = tpu.memref_slice %arg13[%mul3A_2] : memref<10240xf32, #tpu.memory_space<vmem_shared>> -> memref<640xf32, #tpu.memory_space<vmem_shared>>
      %dma_start3A_57 = tpu.memref_slice %arg13[%mul3A_2] : memref<10240xf32, #tpu.memory_space<vmem_shared>> -> memref<640xf32, #tpu.memory_space<vmem_shared>>
      tpu.enqueue_dma source(%arg11 : memref<640xf32, #tpu.memory_space<vmem>>) target(%dma_start3A_57 : memref<640xf32, #tpu.memory_space<vmem_shared>>) target_semaphore(%run_scoped3A : memref<!tpu.dma_semaphore, #tpu.memory_space<semaphore_mem>>)
      %dma_wait3A = tpu.memref_slice %arg13[%mul3A_2] : memref<10240xf32, #tpu.memory_space<vmem_shared>> -> memref<640xf32, #tpu.memory_space<vmem_shared>>
      %dma_wait3A_58 = tpu.memref_slice %arg13[%mul3A_2] : memref<10240xf32, #tpu.memory_space<vmem_shared>> -> memref<640xf32, #tpu.memory_space<vmem_shared>>
      tpu.wait_dma2 semaphore(%run_scoped3A : memref<!tpu.dma_semaphore, #tpu.memory_space<semaphore_mem>>) src(%arg11 : memref<640xf32, #tpu.memory_space<vmem>>) dst(%dma_wait3A_58 : memref<640xf32, #tpu.memory_space<vmem_shared>>)
      tpu.yield
    }) : () -> ()
    %barrier3A_35 = arith.constant 0 : index
    tpu.barrier barrier_id(%barrier3A_35)
    tpu.enqueue_dma source(%arg13 : memref<10240xf32, #tpu.memory_space<vmem_shared>>) target(%arg6 : memref<10240xf32, #tpu.memory_space<vmem>>) target_semaphore(%arg14 : memref<!tpu.dma_semaphore, #tpu.memory_space<semaphore_mem>>)
    %parallel_loop3A_36 = arith.constant 0 : i32
    %parallel_loop3A_37 = arith.constant 640 : i32
    %parallel_loop3A_38 = arith.constant 1 : i32
    scf.for %parallel_loop3A_57 = %parallel_loop3A_36 to %parallel_loop3A_37 step %parallel_loop3A_38  : i32 {
      %parallel_loop3A_58 = arith.constant 16 : i32
      %parallel_loop3A_59 = arith.muli %parallel_loop3A_57, %parallel_loop3A_58 : i32
      %parallel_loop3A_60 = arith.index_cast %parallel_loop3A_59 : i32 to index
      %parallel_loop3A_61 = tpu.vector_load %arg7[%parallel_loop3A_60] {strides = array<i32>} : memref<10240xf32, #tpu.memory_space<vmem>>, vector<16xf32>,
      tpu.vector_store %arg7[%parallel_loop3A_60], %broadcast_in_dim3A_24 {strides = array<i32>} : memref<10240xf32, #tpu.memory_space<vmem>>, vector<16xf32>,
    } {sc.loop_unroll_factor = 8 : i64, sc.parallel_access}
    tpu.wait_dma2 semaphore(%arg14 : memref<!tpu.dma_semaphore, #tpu.memory_space<semaphore_mem>>) src(%arg13 : memref<10240xf32, #tpu.memory_space<vmem_shared>>) dst(%arg6 : memref<10240xf32, #tpu.memory_space<vmem>>)
    %parallel_loop3A_39 = arith.constant 0 : i32
    %parallel_loop3A_40 = arith.constant 1250 : i32
    %parallel_loop3A_41 = arith.constant 1 : i32
    scf.for %parallel_loop3A_57 = %parallel_loop3A_39 to %parallel_loop3A_40 step %parallel_loop3A_41  : i32 {
      %parallel_loop3A_58 = arith.constant 16 : i32
      %parallel_loop3A_59 = arith.muli %parallel_loop3A_57, %parallel_loop3A_58 : i32
      %parallel_loop3A_60 = arith.addi %sub3A_21, %parallel_loop3A_59 : i32
      %parallel_loop3A_61 = arith.constant 0 : i32
      %parallel_loop3A_62 = arith.index_cast %parallel_loop3A_61 : i32 to index
      %parallel_loop3A_63 = arith.index_cast %parallel_loop3A_60 : i32 to index
      %parallel_loop3A_64 = tpu.vector_load %arg8[%parallel_loop3A_62, %parallel_loop3A_63] {strides = array<i32>} : memref<2x20096xi32, #tpu.memory_space<vmem>>, vector<16xi32>,
      %parallel_loop3A_65 = arith.constant 1 : i32
      %parallel_loop3A_66 = arith.index_cast %parallel_loop3A_65 : i32 to index
      %parallel_loop3A_67 = arith.index_cast %parallel_loop3A_60 : i32 to index
      %parallel_loop3A_68 = tpu.vector_load %arg8[%parallel_loop3A_66, %parallel_loop3A_67] {strides = array<i32>} : memref<2x20096xi32, #tpu.memory_space<vmem>>, vector<16xi32>,
      %parallel_loop3A_69 = tpu.vector_load_idx %arg6[%parallel_loop3A_64] : memref<10240xf32, #tpu.memory_space<vmem>>[vector<16xi32>], vector<16xf32>,
      tpu.vector_store_idx %arg7[%parallel_loop3A_68], %parallel_loop3A_69 {add = true} : memref<10240xf32, #tpu.memory_space<vmem>>[vector<16xi32>], vector<16xf32>,
    } {sc.loop_unroll_factor = 16 : i64, sc.parallel_access}
    "tpu.region"() ({
      %run_scoped3A = tpu.sem_alloc : memref<!tpu.dma_semaphore, #tpu.memory_space<semaphore_mem>>
      %dma_start3A = arith.constant 0 : i32
      %dma_start3A_57 = tpu.memref_slice %arg12[%arg1, %dma_start3A] : memref<16x10240xf32, #tpu.memory_space<vmem_shared>> -> memref<1x10240xf32, #tpu.memory_space<vmem_shared>>
      %dma_start3A_58 = tpu.memref_squeeze %dma_start3A_57 : memref<1x10240xf32, #tpu.memory_space<vmem_shared>> -> memref<10240xf32, #tpu.memory_space<vmem_shared>>
      %dma_start3A_59 = arith.constant 0 : i32
      %dma_start3A_60 = tpu.memref_slice %arg12[%arg1, %dma_start3A_59] : memref<16x10240xf32, #tpu.memory_space<vmem_shared>> -> memref<1x10240xf32, #tpu.memory_space<vmem_shared>>
      %dma_start3A_61 = tpu.memref_squeeze %dma_start3A_60 : memref<1x10240xf32, #tpu.memory_space<vmem_shared>> -> memref<10240xf32, #tpu.memory_space<vmem_shared>>
      tpu.enqueue_dma source(%arg7 : memref<10240xf32, #tpu.memory_space<vmem>>) target(%dma_start3A_61 : memref<10240xf32, #tpu.memory_space<vmem_shared>>) target_semaphore(%run_scoped3A : memref<!tpu.dma_semaphore, #tpu.memory_space<semaphore_mem>>)
      %dma_wait3A = arith.constant 0 : i32
      %dma_wait3A_62 = tpu.memref_slice %arg12[%arg1, %dma_wait3A] : memref<16x10240xf32, #tpu.memory_space<vmem_shared>> -> memref<1x10240xf32, #tpu.memory_space<vmem_shared>>
      %dma_wait3A_63 = tpu.memref_squeeze %dma_wait3A_62 : memref<1x10240xf32, #tpu.memory_space<vmem_shared>> -> memref<10240xf32, #tpu.memory_space<vmem_shared>>
      %dma_wait3A_64 = arith.constant 0 : i32
      %dma_wait3A_65 = tpu.memref_slice %arg12[%arg1, %dma_wait3A_64] : memref<16x10240xf32, #tpu.memory_space<vmem_shared>> -> memref<1x10240xf32, #tpu.memory_space<vmem_shared>>
      %dma_wait3A_66 = tpu.memref_squeeze %dma_wait3A_65 : memref<1x10240xf32, #tpu.memory_space<vmem_shared>> -> memref<10240xf32, #tpu.memory_space<vmem_shared>>
      tpu.wait_dma2 semaphore(%run_scoped3A : memref<!tpu.dma_semaphore, #tpu.memory_space<semaphore_mem>>) src(%arg7 : memref<10240xf32, #tpu.memory_space<vmem>>) dst(%dma_wait3A_66 : memref<10240xf32, #tpu.memory_space<vmem_shared>>)
      tpu.yield
    }) : () -> ()
    %barrier3A_42 = arith.constant 0 : index
    tpu.barrier barrier_id(%barrier3A_42)
    "tpu.region"() ({
      %run_scoped3A = tpu.sem_alloc : memref<!tpu.dma_semaphore, #tpu.memory_space<semaphore_mem>>
      %dma_start3A = arith.constant 0 : i32
      %dma_start3A_57 = tpu.memref_slice %arg12[%dma_start3A, %mul3A_2] : memref<16x10240xf32, #tpu.memory_space<vmem_shared>> -> memref<16x640xf32, #tpu.memory_space<vmem_shared>>
      %dma_start3A_58 = arith.constant 0 : i32
      %dma_start3A_59 = tpu.memref_slice %arg12[%dma_start3A_58, %mul3A_2] : memref<16x10240xf32, #tpu.memory_space<vmem_shared>> -> memref<16x640xf32, #tpu.memory_space<vmem_shared>>
      tpu.enqueue_dma source(%dma_start3A_59 : memref<16x640xf32, #tpu.memory_space<vmem_shared>>) target(%arg10 : memref<16x640xf32, #tpu.memory_space<vmem>>) target_semaphore(%run_scoped3A : memref<!tpu.dma_semaphore, #tpu.memory_space<semaphore_mem>>)
      %dma_wait3A = arith.constant 0 : i32
      %dma_wait3A_60 = tpu.memref_slice %arg12[%dma_wait3A, %mul3A_2] : memref<16x10240xf32, #tpu.memory_space<vmem_shared>> -> memref<16x640xf32, #tpu.memory_space<vmem_shared>>
      %dma_wait3A_61 = arith.constant 0 : i32
      %dma_wait3A_62 = tpu.memref_slice %arg12[%dma_wait3A_61, %mul3A_2] : memref<16x10240xf32, #tpu.memory_space<vmem_shared>> -> memref<16x640xf32, #tpu.memory_space<vmem_shared>>
      tpu.wait_dma2 semaphore(%run_scoped3A : memref<!tpu.dma_semaphore, #tpu.memory_space<semaphore_mem>>) src(%dma_wait3A_62 : memref<16x640xf32, #tpu.memory_space<vmem_shared>>) dst(%arg10 : memref<16x640xf32, #tpu.memory_space<vmem>>)
      tpu.yield
    }) : () -> ()
    %parallel_loop3A_43 = arith.constant 0 : i32
    %parallel_loop3A_44 = arith.constant 40 : i32
    %parallel_loop3A_45 = arith.constant 1 : i32
    scf.for %parallel_loop3A_57 = %parallel_loop3A_43 to %parallel_loop3A_44 step %parallel_loop3A_45  : i32 {
      %parallel_loop3A_58 = arith.constant 16 : i32
      %parallel_loop3A_59 = arith.muli %parallel_loop3A_57, %parallel_loop3A_58 : i32
      %parallel_loop3A_60 = arith.constant 0 : i32
      %parallel_loop3A_61 = arith.index_cast %parallel_loop3A_60 : i32 to index
      %parallel_loop3A_62 = arith.index_cast %parallel_loop3A_59 : i32 to index
      %parallel_loop3A_63 = tpu.vector_load %arg10[%parallel_loop3A_61, %parallel_loop3A_62] {strides = array<i32>} : memref<16x640xf32, #tpu.memory_space<vmem>>, vector<16xf32>,
      %parallel_loop3A_64 = arith.constant 1 : i32
      %parallel_loop3A_65 = arith.index_cast %parallel_loop3A_64 : i32 to index
      %parallel_loop3A_66 = arith.index_cast %parallel_loop3A_59 : i32 to index
      %parallel_loop3A_67 = tpu.vector_load %arg10[%parallel_loop3A_65, %parallel_loop3A_66] {strides = array<i32>} : memref<16x640xf32, #tpu.memory_space<vmem>>, vector<16xf32>,
      %parallel_loop3A_68 = arith.addf %parallel_loop3A_63, %parallel_loop3A_67 : vector<16xf32>
      %parallel_loop3A_69 = arith.constant 2 : i32
      %parallel_loop3A_70 = arith.index_cast %parallel_loop3A_69 : i32 to index
      %parallel_loop3A_71 = arith.index_cast %parallel_loop3A_59 : i32 to index
      %parallel_loop3A_72 = tpu.vector_load %arg10[%parallel_loop3A_70, %parallel_loop3A_71] {strides = array<i32>} : memref<16x640xf32, #tpu.memory_space<vmem>>, vector<16xf32>,
      %parallel_loop3A_73 = arith.addf %parallel_loop3A_68, %parallel_loop3A_72 : vector<16xf32>
      %parallel_loop3A_74 = arith.constant 3 : i32
      %parallel_loop3A_75 = arith.index_cast %parallel_loop3A_74 : i32 to index
      %parallel_loop3A_76 = arith.index_cast %parallel_loop3A_59 : i32 to index
      %parallel_loop3A_77 = tpu.vector_load %arg10[%parallel_loop3A_75, %parallel_loop3A_76] {strides = array<i32>} : memref<16x640xf32, #tpu.memory_space<vmem>>, vector<16xf32>,
      %parallel_loop3A_78 = arith.addf %parallel_loop3A_73, %parallel_loop3A_77 : vector<16xf32>
      %parallel_loop3A_79 = arith.constant 4 : i32
      %parallel_loop3A_80 = arith.index_cast %parallel_loop3A_79 : i32 to index
      %parallel_loop3A_81 = arith.index_cast %parallel_loop3A_59 : i32 to index
      %parallel_loop3A_82 = tpu.vector_load %arg10[%parallel_loop3A_80, %parallel_loop3A_81] {strides = array<i32>} : memref<16x640xf32, #tpu.memory_space<vmem>>, vector<16xf32>,
      %parallel_loop3A_83 = arith.addf %parallel_loop3A_78, %parallel_loop3A_82 : vector<16xf32>
      %parallel_loop3A_84 = arith.constant 5 : i32
      %parallel_loop3A_85 = arith.index_cast %parallel_loop3A_84 : i32 to index
      %parallel_loop3A_86 = arith.index_cast %parallel_loop3A_59 : i32 to index
      %parallel_loop3A_87 = tpu.vector_load %arg10[%parallel_loop3A_85, %parallel_loop3A_86] {strides = array<i32>} : memref<16x640xf32, #tpu.memory_space<vmem>>, vector<16xf32>,
      %parallel_loop3A_88 = arith.addf %parallel_loop3A_83, %parallel_loop3A_87 : vector<16xf32>
      %parallel_loop3A_89 = arith.constant 6 : i32
      %parallel_loop3A_90 = arith.index_cast %parallel_loop3A_89 : i32 to index
      %parallel_loop3A_91 = arith.index_cast %parallel_loop3A_59 : i32 to index
      %parallel_loop3A_92 = tpu.vector_load %arg10[%parallel_loop3A_90, %parallel_loop3A_91] {strides = array<i32>} : memref<16x640xf32, #tpu.memory_space<vmem>>, vector<16xf32>,
      %parallel_loop3A_93 = arith.addf %parallel_loop3A_88, %parallel_loop3A_92 : vector<16xf32>
      %parallel_loop3A_94 = arith.constant 7 : i32
      %parallel_loop3A_95 = arith.index_cast %parallel_loop3A_94 : i32 to index
      %parallel_loop3A_96 = arith.index_cast %parallel_loop3A_59 : i32 to index
      %parallel_loop3A_97 = tpu.vector_load %arg10[%parallel_loop3A_95, %parallel_loop3A_96] {strides = array<i32>} : memref<16x640xf32, #tpu.memory_space<vmem>>, vector<16xf32>,
      %parallel_loop3A_98 = arith.addf %parallel_loop3A_93, %parallel_loop3A_97 : vector<16xf32>
      %parallel_loop3A_99 = arith.constant 8 : i32
      %parallel_loop3A_100 = arith.index_cast %parallel_loop3A_99 : i32 to index
      %parallel_loop3A_101 = arith.index_cast %parallel_loop3A_59 : i32 to index
      %parallel_loop3A_102 = tpu.vector_load %arg10[%parallel_loop3A_100, %parallel_loop3A_101] {strides = array<i32>} : memref<16x640xf32, #tpu.memory_space<vmem>>, vector<16xf32>,
      %parallel_loop3A_103 = arith.addf %parallel_loop3A_98, %parallel_loop3A_102 : vector<16xf32>
      %parallel_loop3A_104 = arith.constant 9 : i32
      %parallel_loop3A_105 = arith.index_cast %parallel_loop3A_104 : i32 to index
      %parallel_loop3A_106 = arith.index_cast %parallel_loop3A_59 : i32 to index
      %parallel_loop3A_107 = tpu.vector_load %arg10[%parallel_loop3A_105, %parallel_loop3A_106] {strides = array<i32>} : memref<16x640xf32, #tpu.memory_space<vmem>>, vector<16xf32>,
      %parallel_loop3A_108 = arith.addf %parallel_loop3A_103, %parallel_loop3A_107 : vector<16xf32>
      %parallel_loop3A_109 = arith.constant 10 : i32
      %parallel_loop3A_110 = arith.index_cast %parallel_loop3A_109 : i32 to index
      %parallel_loop3A_111 = arith.index_cast %parallel_loop3A_59 : i32 to index
      %parallel_loop3A_112 = tpu.vector_load %arg10[%parallel_loop3A_110, %parallel_loop3A_111] {strides = array<i32>} : memref<16x640xf32, #tpu.memory_space<vmem>>, vector<16xf32>,
      %parallel_loop3A_113 = arith.addf %parallel_loop3A_108, %parallel_loop3A_112 : vector<16xf32>
      %parallel_loop3A_114 = arith.constant 11 : i32
      %parallel_loop3A_115 = arith.index_cast %parallel_loop3A_114 : i32 to index
      %parallel_loop3A_116 = arith.index_cast %parallel_loop3A_59 : i32 to index
      %parallel_loop3A_117 = tpu.vector_load %arg10[%parallel_loop3A_115, %parallel_loop3A_116] {strides = array<i32>} : memref<16x640xf32, #tpu.memory_space<vmem>>, vector<16xf32>,
      %parallel_loop3A_118 = arith.addf %parallel_loop3A_113, %parallel_loop3A_117 : vector<16xf32>
      %parallel_loop3A_119 = arith.constant 12 : i32
      %parallel_loop3A_120 = arith.index_cast %parallel_loop3A_119 : i32 to index
      %parallel_loop3A_121 = arith.index_cast %parallel_loop3A_59 : i32 to index
      %parallel_loop3A_122 = tpu.vector_load %arg10[%parallel_loop3A_120, %parallel_loop3A_121] {strides = array<i32>} : memref<16x640xf32, #tpu.memory_space<vmem>>, vector<16xf32>,
      %parallel_loop3A_123 = arith.addf %parallel_loop3A_118, %parallel_loop3A_122 : vector<16xf32>
      %parallel_loop3A_124 = arith.constant 13 : i32
      %parallel_loop3A_125 = arith.index_cast %parallel_loop3A_124 : i32 to index
      %parallel_loop3A_126 = arith.index_cast %parallel_loop3A_59 : i32 to index
      %parallel_loop3A_127 = tpu.vector_load %arg10[%parallel_loop3A_125, %parallel_loop3A_126] {strides = array<i32>} : memref<16x640xf32, #tpu.memory_space<vmem>>, vector<16xf32>,
      %parallel_loop3A_128 = arith.addf %parallel_loop3A_123, %parallel_loop3A_127 : vector<16xf32>
      %parallel_loop3A_129 = arith.constant 14 : i32
      %parallel_loop3A_130 = arith.index_cast %parallel_loop3A_129 : i32 to index
      %parallel_loop3A_131 = arith.index_cast %parallel_loop3A_59 : i32 to index
      %parallel_loop3A_132 = tpu.vector_load %arg10[%parallel_loop3A_130, %parallel_loop3A_131] {strides = array<i32>} : memref<16x640xf32, #tpu.memory_space<vmem>>, vector<16xf32>,
      %parallel_loop3A_133 = arith.addf %parallel_loop3A_128, %parallel_loop3A_132 : vector<16xf32>
      %parallel_loop3A_134 = arith.constant 15 : i32
      %parallel_loop3A_135 = arith.index_cast %parallel_loop3A_134 : i32 to index
      %parallel_loop3A_136 = arith.index_cast %parallel_loop3A_59 : i32 to index
      %parallel_loop3A_137 = tpu.vector_load %arg10[%parallel_loop3A_135, %parallel_loop3A_136] {strides = array<i32>} : memref<16x640xf32, #tpu.memory_space<vmem>>, vector<16xf32>,
      %parallel_loop3A_138 = arith.addf %parallel_loop3A_133, %parallel_loop3A_137 : vector<16xf32>
      %parallel_loop3A_139 = arith.index_cast %parallel_loop3A_59 : i32 to index
      %parallel_loop3A_140 = tpu.vector_load %arg9[%parallel_loop3A_139] {strides = array<i32>} : memref<640xf32, #tpu.memory_space<vmem>>, vector<16xf32>,
      %parallel_loop3A_141 = arith.mulf %parallel_loop3A_138, %parallel_loop3A_140 : vector<16xf32>
      %parallel_loop3A_142 = arith.index_cast %parallel_loop3A_59 : i32 to index
      %parallel_loop3A_143 = tpu.vector_load %arg11[%parallel_loop3A_142] {strides = array<i32>} : memref<640xf32, #tpu.memory_space<vmem>>, vector<16xf32>,
      tpu.vector_store %arg11[%parallel_loop3A_142], %parallel_loop3A_141 {strides = array<i32>} : memref<640xf32, #tpu.memory_space<vmem>>, vector<16xf32>,
    } {sc.loop_unroll_factor = 2 : i64, sc.parallel_access}
    "tpu.region"() ({
      %run_scoped3A = tpu.sem_alloc : memref<!tpu.dma_semaphore, #tpu.memory_space<semaphore_mem>>
      %dma_start3A = tpu.memref_slice %arg13[%mul3A_2] : memref<10240xf32, #tpu.memory_space<vmem_shared>> -> memref<640xf32, #tpu.memory_space<vmem_shared>>
      %dma_start3A_57 = tpu.memref_slice %arg13[%mul3A_2] : memref<10240xf32, #tpu.memory_space<vmem_shared>> -> memref<640xf32, #tpu.memory_space<vmem_shared>>
      tpu.enqueue_dma source(%arg11 : memref<640xf32, #tpu.memory_space<vmem>>) target(%dma_start3A_57 : memref<640xf32, #tpu.memory_space<vmem_shared>>) target_semaphore(%run_scoped3A : memref<!tpu.dma_semaphore, #tpu.memory_space<semaphore_mem>>)
      %dma_wait3A = tpu.memref_slice %arg13[%mul3A_2] : memref<10240xf32, #tpu.memory_space<vmem_shared>> -> memref<640xf32, #tpu.memory_space<vmem_shared>>
      %dma_wait3A_58 = tpu.memref_slice %arg13[%mul3A_2] : memref<10240xf32, #tpu.memory_space<vmem_shared>> -> memref<640xf32, #tpu.memory_space<vmem_shared>>
      tpu.wait_dma2 semaphore(%run_scoped3A : memref<!tpu.dma_semaphore, #tpu.memory_space<semaphore_mem>>) src(%arg11 : memref<640xf32, #tpu.memory_space<vmem>>) dst(%dma_wait3A_58 : memref<640xf32, #tpu.memory_space<vmem_shared>>)
      tpu.yield
    }) : () -> ()
    %barrier3A_46 = arith.constant 0 : index
    tpu.barrier barrier_id(%barrier3A_46)
    tpu.enqueue_dma source(%arg13 : memref<10240xf32, #tpu.memory_space<vmem_shared>>) target(%arg6 : memref<10240xf32, #tpu.memory_space<vmem>>) target_semaphore(%arg14 : memref<!tpu.dma_semaphore, #tpu.memory_space<semaphore_mem>>)
    %parallel_loop3A_47 = arith.constant 0 : i32
    %parallel_loop3A_48 = arith.constant 640 : i32
    %parallel_loop3A_49 = arith.constant 1 : i32
    scf.for %parallel_loop3A_57 = %parallel_loop3A_47 to %parallel_loop3A_48 step %parallel_loop3A_49  : i32 {
      %parallel_loop3A_58 = arith.constant 16 : i32
      %parallel_loop3A_59 = arith.muli %parallel_loop3A_57, %parallel_loop3A_58 : i32
      %parallel_loop3A_60 = arith.index_cast %parallel_loop3A_59 : i32 to index
      %parallel_loop3A_61 = tpu.vector_load %arg7[%parallel_loop3A_60] {strides = array<i32>} : memref<10240xf32, #tpu.memory_space<vmem>>, vector<16xf32>,
      tpu.vector_store %arg7[%parallel_loop3A_60], %broadcast_in_dim3A_24 {strides = array<i32>} : memref<10240xf32, #tpu.memory_space<vmem>>, vector<16xf32>,
    } {sc.loop_unroll_factor = 8 : i64, sc.parallel_access}
    tpu.wait_dma2 semaphore(%arg14 : memref<!tpu.dma_semaphore, #tpu.memory_space<semaphore_mem>>) src(%arg13 : memref<10240xf32, #tpu.memory_space<vmem_shared>>) dst(%arg6 : memref<10240xf32, #tpu.memory_space<vmem>>)
    %parallel_loop3A_50 = arith.constant 0 : i32
    %parallel_loop3A_51 = arith.constant 1250 : i32
    %parallel_loop3A_52 = arith.constant 1 : i32
    scf.for %parallel_loop3A_57 = %parallel_loop3A_50 to %parallel_loop3A_51 step %parallel_loop3A_52  : i32 {
      %parallel_loop3A_58 = arith.constant 16 : i32
      %parallel_loop3A_59 = arith.muli %parallel_loop3A_57, %parallel_loop3A_58 : i32
      %parallel_loop3A_60 = arith.addi %sub3A_21, %parallel_loop3A_59 : i32
      %parallel_loop3A_61 = arith.constant 0 : i32
      %parallel_loop3A_62 = arith.index_cast %parallel_loop3A_61 : i32 to index
      %parallel_loop3A_63 = arith.index_cast %parallel_loop3A_60 : i32 to index
      %parallel_loop3A_64 = tpu.vector_load %arg8[%parallel_loop3A_62, %parallel_loop3A_63] {strides = array<i32>} : memref<2x20096xi32, #tpu.memory_space<vmem>>, vector<16xi32>,
      %parallel_loop3A_65 = arith.constant 1 : i32
      %parallel_loop3A_66 = arith.index_cast %parallel_loop3A_65 : i32 to index
      %parallel_loop3A_67 = arith.index_cast %parallel_loop3A_60 : i32 to index
      %parallel_loop3A_68 = tpu.vector_load %arg8[%parallel_loop3A_66, %parallel_loop3A_67] {strides = array<i32>} : memref<2x20096xi32, #tpu.memory_space<vmem>>, vector<16xi32>,
      %parallel_loop3A_69 = tpu.vector_load_idx %arg6[%parallel_loop3A_64] : memref<10240xf32, #tpu.memory_space<vmem>>[vector<16xi32>], vector<16xf32>,
      tpu.vector_store_idx %arg7[%parallel_loop3A_68], %parallel_loop3A_69 {add = true} : memref<10240xf32, #tpu.memory_space<vmem>>[vector<16xi32>], vector<16xf32>,
    } {sc.loop_unroll_factor = 16 : i64, sc.parallel_access}
    "tpu.region"() ({
      %run_scoped3A = tpu.sem_alloc : memref<!tpu.dma_semaphore, #tpu.memory_space<semaphore_mem>>
      %dma_start3A = arith.constant 0 : i32
      %dma_start3A_57 = tpu.memref_slice %arg12[%arg1, %dma_start3A] : memref<16x10240xf32, #tpu.memory_space<vmem_shared>> -> memref<1x10240xf32, #tpu.memory_space<vmem_shared>>
      %dma_start3A_58 = tpu.memref_squeeze %dma_start3A_57 : memref<1x10240xf32, #tpu.memory_space<vmem_shared>> -> memref<10240xf32, #tpu.memory_space<vmem_shared>>
      %dma_start3A_59 = arith.constant 0 : i32
      %dma_start3A_60 = tpu.memref_slice %arg12[%arg1, %dma_start3A_59] : memref<16x10240xf32, #tpu.memory_space<vmem_shared>> -> memref<1x10240xf32, #tpu.memory_space<vmem_shared>>
      %dma_start3A_61 = tpu.memref_squeeze %dma_start3A_60 : memref<1x10240xf32, #tpu.memory_space<vmem_shared>> -> memref<10240xf32, #tpu.memory_space<vmem_shared>>
      tpu.enqueue_dma source(%arg7 : memref<10240xf32, #tpu.memory_space<vmem>>) target(%dma_start3A_61 : memref<10240xf32, #tpu.memory_space<vmem_shared>>) target_semaphore(%run_scoped3A : memref<!tpu.dma_semaphore, #tpu.memory_space<semaphore_mem>>)
      %dma_wait3A = arith.constant 0 : i32
      %dma_wait3A_62 = tpu.memref_slice %arg12[%arg1, %dma_wait3A] : memref<16x10240xf32, #tpu.memory_space<vmem_shared>> -> memref<1x10240xf32, #tpu.memory_space<vmem_shared>>
      %dma_wait3A_63 = tpu.memref_squeeze %dma_wait3A_62 : memref<1x10240xf32, #tpu.memory_space<vmem_shared>> -> memref<10240xf32, #tpu.memory_space<vmem_shared>>
      %dma_wait3A_64 = arith.constant 0 : i32
      %dma_wait3A_65 = tpu.memref_slice %arg12[%arg1, %dma_wait3A_64] : memref<16x10240xf32, #tpu.memory_space<vmem_shared>> -> memref<1x10240xf32, #tpu.memory_space<vmem_shared>>
      %dma_wait3A_66 = tpu.memref_squeeze %dma_wait3A_65 : memref<1x10240xf32, #tpu.memory_space<vmem_shared>> -> memref<10240xf32, #tpu.memory_space<vmem_shared>>
      tpu.wait_dma2 semaphore(%run_scoped3A : memref<!tpu.dma_semaphore, #tpu.memory_space<semaphore_mem>>) src(%arg7 : memref<10240xf32, #tpu.memory_space<vmem>>) dst(%dma_wait3A_66 : memref<10240xf32, #tpu.memory_space<vmem_shared>>)
      tpu.yield
    }) : () -> ()
    %barrier3A_53 = arith.constant 0 : index
    tpu.barrier barrier_id(%barrier3A_53)
    "tpu.region"() ({
      %run_scoped3A = tpu.sem_alloc : memref<!tpu.dma_semaphore, #tpu.memory_space<semaphore_mem>>
      %dma_start3A = arith.constant 0 : i32
      %dma_start3A_57 = tpu.memref_slice %arg12[%dma_start3A, %mul3A_2] : memref<16x10240xf32, #tpu.memory_space<vmem_shared>> -> memref<16x640xf32, #tpu.memory_space<vmem_shared>>
      %dma_start3A_58 = arith.constant 0 : i32
      %dma_start3A_59 = tpu.memref_slice %arg12[%dma_start3A_58, %mul3A_2] : memref<16x10240xf32, #tpu.memory_space<vmem_shared>> -> memref<16x640xf32, #tpu.memory_space<vmem_shared>>
      tpu.enqueue_dma source(%dma_start3A_59 : memref<16x640xf32, #tpu.memory_space<vmem_shared>>) target(%arg10 : memref<16x640xf32, #tpu.memory_space<vmem>>) target_semaphore(%run_scoped3A : memref<!tpu.dma_semaphore, #tpu.memory_space<semaphore_mem>>)
      %dma_wait3A = arith.constant 0 : i32
      %dma_wait3A_60 = tpu.memref_slice %arg12[%dma_wait3A, %mul3A_2] : memref<16x10240xf32, #tpu.memory_space<vmem_shared>> -> memref<16x640xf32, #tpu.memory_space<vmem_shared>>
      %dma_wait3A_61 = arith.constant 0 : i32
      %dma_wait3A_62 = tpu.memref_slice %arg12[%dma_wait3A_61, %mul3A_2] : memref<16x10240xf32, #tpu.memory_space<vmem_shared>> -> memref<16x640xf32, #tpu.memory_space<vmem_shared>>
      tpu.wait_dma2 semaphore(%run_scoped3A : memref<!tpu.dma_semaphore, #tpu.memory_space<semaphore_mem>>) src(%dma_wait3A_62 : memref<16x640xf32, #tpu.memory_space<vmem_shared>>) dst(%arg10 : memref<16x640xf32, #tpu.memory_space<vmem>>)
      tpu.yield
    }) : () -> ()
    %parallel_loop3A_54 = arith.constant 0 : i32
    %parallel_loop3A_55 = arith.constant 40 : i32
    %parallel_loop3A_56 = arith.constant 1 : i32
    scf.for %parallel_loop3A_57 = %parallel_loop3A_54 to %parallel_loop3A_55 step %parallel_loop3A_56  : i32 {
      %parallel_loop3A_58 = arith.constant 16 : i32
      %parallel_loop3A_59 = arith.muli %parallel_loop3A_57, %parallel_loop3A_58 : i32
      %parallel_loop3A_60 = arith.constant 0 : i32
      %parallel_loop3A_61 = arith.index_cast %parallel_loop3A_60 : i32 to index
      %parallel_loop3A_62 = arith.index_cast %parallel_loop3A_59 : i32 to index
      %parallel_loop3A_63 = tpu.vector_load %arg10[%parallel_loop3A_61, %parallel_loop3A_62] {strides = array<i32>} : memref<16x640xf32, #tpu.memory_space<vmem>>, vector<16xf32>,
      %parallel_loop3A_64 = arith.constant 1 : i32
      %parallel_loop3A_65 = arith.index_cast %parallel_loop3A_64 : i32 to index
      %parallel_loop3A_66 = arith.index_cast %parallel_loop3A_59 : i32 to index
      %parallel_loop3A_67 = tpu.vector_load %arg10[%parallel_loop3A_65, %parallel_loop3A_66] {strides = array<i32>} : memref<16x640xf32, #tpu.memory_space<vmem>>, vector<16xf32>,
      %parallel_loop3A_68 = arith.addf %parallel_loop3A_63, %parallel_loop3A_67 : vector<16xf32>
      %parallel_loop3A_69 = arith.constant 2 : i32
      %parallel_loop3A_70 = arith.index_cast %parallel_loop3A_69 : i32 to index
      %parallel_loop3A_71 = arith.index_cast %parallel_loop3A_59 : i32 to index
      %parallel_loop3A_72 = tpu.vector_load %arg10[%parallel_loop3A_70, %parallel_loop3A_71] {strides = array<i32>} : memref<16x640xf32, #tpu.memory_space<vmem>>, vector<16xf32>,
      %parallel_loop3A_73 = arith.addf %parallel_loop3A_68, %parallel_loop3A_72 : vector<16xf32>
      %parallel_loop3A_74 = arith.constant 3 : i32
      %parallel_loop3A_75 = arith.index_cast %parallel_loop3A_74 : i32 to index
      %parallel_loop3A_76 = arith.index_cast %parallel_loop3A_59 : i32 to index
      %parallel_loop3A_77 = tpu.vector_load %arg10[%parallel_loop3A_75, %parallel_loop3A_76] {strides = array<i32>} : memref<16x640xf32, #tpu.memory_space<vmem>>, vector<16xf32>,
      %parallel_loop3A_78 = arith.addf %parallel_loop3A_73, %parallel_loop3A_77 : vector<16xf32>
      %parallel_loop3A_79 = arith.constant 4 : i32
      %parallel_loop3A_80 = arith.index_cast %parallel_loop3A_79 : i32 to index
      %parallel_loop3A_81 = arith.index_cast %parallel_loop3A_59 : i32 to index
      %parallel_loop3A_82 = tpu.vector_load %arg10[%parallel_loop3A_80, %parallel_loop3A_81] {strides = array<i32>} : memref<16x640xf32, #tpu.memory_space<vmem>>, vector<16xf32>,
      %parallel_loop3A_83 = arith.addf %parallel_loop3A_78, %parallel_loop3A_82 : vector<16xf32>
      %parallel_loop3A_84 = arith.constant 5 : i32
      %parallel_loop3A_85 = arith.index_cast %parallel_loop3A_84 : i32 to index
      %parallel_loop3A_86 = arith.index_cast %parallel_loop3A_59 : i32 to index
      %parallel_loop3A_87 = tpu.vector_load %arg10[%parallel_loop3A_85, %parallel_loop3A_86] {strides = array<i32>} : memref<16x640xf32, #tpu.memory_space<vmem>>, vector<16xf32>,
      %parallel_loop3A_88 = arith.addf %parallel_loop3A_83, %parallel_loop3A_87 : vector<16xf32>
      %parallel_loop3A_89 = arith.constant 6 : i32
      %parallel_loop3A_90 = arith.index_cast %parallel_loop3A_89 : i32 to index
      %parallel_loop3A_91 = arith.index_cast %parallel_loop3A_59 : i32 to index
      %parallel_loop3A_92 = tpu.vector_load %arg10[%parallel_loop3A_90, %parallel_loop3A_91] {strides = array<i32>} : memref<16x640xf32, #tpu.memory_space<vmem>>, vector<16xf32>,
      %parallel_loop3A_93 = arith.addf %parallel_loop3A_88, %parallel_loop3A_92 : vector<16xf32>
      %parallel_loop3A_94 = arith.constant 7 : i32
      %parallel_loop3A_95 = arith.index_cast %parallel_loop3A_94 : i32 to index
      %parallel_loop3A_96 = arith.index_cast %parallel_loop3A_59 : i32 to index
      %parallel_loop3A_97 = tpu.vector_load %arg10[%parallel_loop3A_95, %parallel_loop3A_96] {strides = array<i32>} : memref<16x640xf32, #tpu.memory_space<vmem>>, vector<16xf32>,
      %parallel_loop3A_98 = arith.addf %parallel_loop3A_93, %parallel_loop3A_97 : vector<16xf32>
      %parallel_loop3A_99 = arith.constant 8 : i32
      %parallel_loop3A_100 = arith.index_cast %parallel_loop3A_99 : i32 to index
      %parallel_loop3A_101 = arith.index_cast %parallel_loop3A_59 : i32 to index
      %parallel_loop3A_102 = tpu.vector_load %arg10[%parallel_loop3A_100, %parallel_loop3A_101] {strides = array<i32>} : memref<16x640xf32, #tpu.memory_space<vmem>>, vector<16xf32>,
      %parallel_loop3A_103 = arith.addf %parallel_loop3A_98, %parallel_loop3A_102 : vector<16xf32>
      %parallel_loop3A_104 = arith.constant 9 : i32
      %parallel_loop3A_105 = arith.index_cast %parallel_loop3A_104 : i32 to index
      %parallel_loop3A_106 = arith.index_cast %parallel_loop3A_59 : i32 to index
      %parallel_loop3A_107 = tpu.vector_load %arg10[%parallel_loop3A_105, %parallel_loop3A_106] {strides = array<i32>} : memref<16x640xf32, #tpu.memory_space<vmem>>, vector<16xf32>,
      %parallel_loop3A_108 = arith.addf %parallel_loop3A_103, %parallel_loop3A_107 : vector<16xf32>
      %parallel_loop3A_109 = arith.constant 10 : i32
      %parallel_loop3A_110 = arith.index_cast %parallel_loop3A_109 : i32 to index
      %parallel_loop3A_111 = arith.index_cast %parallel_loop3A_59 : i32 to index
      %parallel_loop3A_112 = tpu.vector_load %arg10[%parallel_loop3A_110, %parallel_loop3A_111] {strides = array<i32>} : memref<16x640xf32, #tpu.memory_space<vmem>>, vector<16xf32>,
      %parallel_loop3A_113 = arith.addf %parallel_loop3A_108, %parallel_loop3A_112 : vector<16xf32>
      %parallel_loop3A_114 = arith.constant 11 : i32
      %parallel_loop3A_115 = arith.index_cast %parallel_loop3A_114 : i32 to index
      %parallel_loop3A_116 = arith.index_cast %parallel_loop3A_59 : i32 to index
      %parallel_loop3A_117 = tpu.vector_load %arg10[%parallel_loop3A_115, %parallel_loop3A_116] {strides = array<i32>} : memref<16x640xf32, #tpu.memory_space<vmem>>, vector<16xf32>,
      %parallel_loop3A_118 = arith.addf %parallel_loop3A_113, %parallel_loop3A_117 : vector<16xf32>
      %parallel_loop3A_119 = arith.constant 12 : i32
      %parallel_loop3A_120 = arith.index_cast %parallel_loop3A_119 : i32 to index
      %parallel_loop3A_121 = arith.index_cast %parallel_loop3A_59 : i32 to index
      %parallel_loop3A_122 = tpu.vector_load %arg10[%parallel_loop3A_120, %parallel_loop3A_121] {strides = array<i32>} : memref<16x640xf32, #tpu.memory_space<vmem>>, vector<16xf32>,
      %parallel_loop3A_123 = arith.addf %parallel_loop3A_118, %parallel_loop3A_122 : vector<16xf32>
      %parallel_loop3A_124 = arith.constant 13 : i32
      %parallel_loop3A_125 = arith.index_cast %parallel_loop3A_124 : i32 to index
      %parallel_loop3A_126 = arith.index_cast %parallel_loop3A_59 : i32 to index
      %parallel_loop3A_127 = tpu.vector_load %arg10[%parallel_loop3A_125, %parallel_loop3A_126] {strides = array<i32>} : memref<16x640xf32, #tpu.memory_space<vmem>>, vector<16xf32>,
      %parallel_loop3A_128 = arith.addf %parallel_loop3A_123, %parallel_loop3A_127 : vector<16xf32>
      %parallel_loop3A_129 = arith.constant 14 : i32
      %parallel_loop3A_130 = arith.index_cast %parallel_loop3A_129 : i32 to index
      %parallel_loop3A_131 = arith.index_cast %parallel_loop3A_59 : i32 to index
      %parallel_loop3A_132 = tpu.vector_load %arg10[%parallel_loop3A_130, %parallel_loop3A_131] {strides = array<i32>} : memref<16x640xf32, #tpu.memory_space<vmem>>, vector<16xf32>,
      %parallel_loop3A_133 = arith.addf %parallel_loop3A_128, %parallel_loop3A_132 : vector<16xf32>
      %parallel_loop3A_134 = arith.constant 15 : i32
      %parallel_loop3A_135 = arith.index_cast %parallel_loop3A_134 : i32 to index
      %parallel_loop3A_136 = arith.index_cast %parallel_loop3A_59 : i32 to index
      %parallel_loop3A_137 = tpu.vector_load %arg10[%parallel_loop3A_135, %parallel_loop3A_136] {strides = array<i32>} : memref<16x640xf32, #tpu.memory_space<vmem>>, vector<16xf32>,
      %parallel_loop3A_138 = arith.addf %parallel_loop3A_133, %parallel_loop3A_137 : vector<16xf32>
      %parallel_loop3A_139 = arith.index_cast %parallel_loop3A_59 : i32 to index
      %parallel_loop3A_140 = tpu.vector_load %arg11[%parallel_loop3A_139] {strides = array<i32>} : memref<640xf32, #tpu.memory_space<vmem>>, vector<16xf32>,
      tpu.vector_store %arg11[%parallel_loop3A_139], %parallel_loop3A_138 {strides = array<i32>} : memref<640xf32, #tpu.memory_space<vmem>>, vector<16xf32>,
    } {sc.loop_unroll_factor = 2 : i64, sc.parallel_access}
    "tpu.region"() ({
      %run_scoped3A = tpu.sem_alloc : memref<!tpu.dma_semaphore, #tpu.memory_space<semaphore_mem>>
      %dma_start3A = tpu.memref_slice %arg5[%mul3A_2] : memref<10240xf32, #tpu.memory_space<hbm>> -> memref<640xf32, #tpu.memory_space<hbm>>
      %dma_start3A_57 = tpu.memref_slice %arg5[%mul3A_2] : memref<10240xf32, #tpu.memory_space<hbm>> -> memref<640xf32, #tpu.memory_space<hbm>>
      tpu.enqueue_dma source(%arg11 : memref<640xf32, #tpu.memory_space<vmem>>) target(%dma_start3A_57 : memref<640xf32, #tpu.memory_space<hbm>>) target_semaphore(%run_scoped3A : memref<!tpu.dma_semaphore, #tpu.memory_space<semaphore_mem>>)
      %dma_wait3A = tpu.memref_slice %arg5[%mul3A_2] : memref<10240xf32, #tpu.memory_space<hbm>> -> memref<640xf32, #tpu.memory_space<hbm>>
      %dma_wait3A_58 = tpu.memref_slice %arg5[%mul3A_2] : memref<10240xf32, #tpu.memory_space<hbm>> -> memref<640xf32, #tpu.memory_space<hbm>>
      tpu.wait_dma2 semaphore(%run_scoped3A : memref<!tpu.dma_semaphore, #tpu.memory_space<semaphore_mem>>) src(%arg11 : memref<640xf32, #tpu.memory_space<vmem>>) dst(%dma_wait3A_58 : memref<640xf32, #tpu.memory_space<hbm>>)
      tpu.yield
    }) : () -> ()
    return
  }
}

</mosaic_0001>

<sc_bundles>
// kernel: _sybil_call.3.cloned.1.call-start
scs
__scs_entry_jumppad:
0x0: {  	(pc) =	sbr.rel $0x88, $3  }
0x1: {  	(tag) =	ssettag $0x0;
	lr =	simm.s32 $0x1  }
0x2: {  	[smem:$0x3F9E] =	sst lr;
	_ =	strace $0xD0000000  }
0x3: {  	_ = 	snop  }
0x4: {  	_ = 	snop  }
0x5: {  	_ = 	snop  }
0x6: {  	_ = 	snop  }
0x7: {  	_ = 	snop  }
__scs_overlays_trampoline_lowered:
0x8: {  	[smem:$0x3FAD] =	sst s0  }
0x9: {  	[smem:$0x3FAE] =	sst s1  }
0xa: {  	[smem:$0x3FAF] =	sst s2  }
0xb: {  	[smem:$0x3FB0] =	sst s3  }
0xc: {  	[smem:$0x3FB1] =	sst s4  }
0xd: {  	[smem:$0x3FB2] =	sst s5  }
0xe: {  	[smem:$0x3FB3] =	sst s6  }
0xf: {  	[smem:$0x3FB4] =	sst s7  }
0x10: {  	[smem:$0x3FB5] =	sst s8  }
0x11: {  	[smem:$0x3FB6] =	sst s9;
	s0 =	simm.s32 @!p0 $0x0  }
0x12: {  	s1 =	sld [smem:$0x3F9C];
	s0 =	simm.s32 @p0 $0x1  }
0x13: {  	[smem:$0x3FB7] =	sst s0;
	s0 =	simm.s32 @!p1 $0x0  }
0x14: {  	s2 =	sld [smem:$0x3F9B];
	s0 =	simm.s32 @p1 $0x1  }
0x15: {  	[smem:$0x3FB8] =	sst s0;
	s0 =	simm.s32 @!p2 $0x0  }
0x16: {  	s3 =	sld [smem:$0x3FDB];
	s0 =	simm.s32 @p2 $0x1  }
0x17: {  	s4 =	simm.s32 $0x1BF5;
	[smem:$0x3FBA] =	sst s0  }
0x18: {  	s0 =	sld [smem:$0x3F9D];
	_ =	swait.ge [sflag:s4], $0x0  }
0x19: {  	s7 =	sld [smem:$0x3F9E]  }
0x1a: {  	s8 =	sadd.s32 $0xFFFFE003, lr  }
0x1b: {  	s9 =	sadd.s32 $0xFFFFFEF7, lr;
	s5 =	simm.s32 $0xFFFFFFFF;
	p2 =	slt.u32 s8, $0xFFFFF086  }
0x1c: {  	p1 =	slt.u32 s9, $0xF7A;
	s5 =	simm.s32 @!p2 $0x0  }
0x1d: {  	s5 =	simm.s32 @p1 $0x1;
	p0 =	seq.s32 s7, s2  }
0x1e: {  	s7 =	smul.u32 @!p0 $0xF7A, s2;
	p2 =	seq.s32 @!p0 s5, $0x0  }
0x1f: {  	s9 =	smul.u32 $0xF7A, s1;
	s8 =	simm.s32 @!p0 $0x1BF5;
	p2 =	por !p2, p0  }
0x20: {  	[sflag:s8] =	ssyncset.s32 @!p0 $0xFFFFF086;
	s6 =	sadd.s32 @!p0 s3, s7;
	s7 =	simm.s32 @!p0 $0x108  }
0x21: {  	s3 =	sadd.s32 s3, s9;
	s6 =	sadd.s32 @!p0 $0x88, s6;
	s7 =	simm.s32 @p2 $0x1082  }
0x22: {  	[simem:s7], [sflag:s8] =	dma.local @!p0 [hbm:s6], $0xF7A  }
0x23: {  	s9 =	sor.u32 $0xD0000000, s2;
	s6 =	simm.s32 $0x108;
	_ =	swait.ge @!p0 [sflag:s8], $0x0  }
0x24: {  	s3 =	sadd.s32 $0x88, s3;
	s6 =	simm.s32 @!p1 $0x1082;
	[sflag:s4] =	ssyncset.s32 $0xFFFFF086  }
0x25: {  	[simem:s6], [sflag:s4] =	dma.local [hbm:s3], $0xF7A  }
0x26: {  	[smem:$0x3F9E] =	sst s1;
	(tag) =	ssettag s2;
	_ =	strace s9  }
0x27: {  	s1 =	sld [smem:$0x3FAE]  }
0x28: {  	s2 =	sld [smem:$0x3FAF]  }
0x29: {  	s4 =	sld [smem:$0x3FB1]  }
0x2a: {  	p0 =	seq.s32 s5, $0x0;
	s5 =	sld [smem:$0x3FB2]  }
0x2b: {  	s6 =	sld [smem:$0x3FB3]  }
0x2c: {  	s7 =	sld [smem:$0x3FB4]  }
0x2d: {  	s3 =	simm.s32 $0x108;
	s8 =	sld [smem:$0x3FB5]  }
0x2e: {  	s3 =	simm.s32 @!p0 $0x1082;
	s9 =	sld [smem:$0x3FB6]  }
0x2f: {  	lr =	sadd.s32 s0, s3;
	s0 =	sld [smem:$0x3FAD]  }
0x30: {  	s3 =	sld [smem:$0x3FB0]  }
0x31: {  	[smem:$0x3FB9] =	sst s10  }
0x32: {  	s10 =	sld [smem:$0x3FB7];
	_ =	sdelay $0x3  }
0x33: {  	p0 =	seq.s32 s10, $0x1;
	s10 =	sld [smem:$0x3FB9];
	_ =	sdelay $0x3  }
0x34: {  	[smem:$0x3FB9] =	sst s10  }
0x35: {  	s10 =	sld [smem:$0x3FB8];
	_ =	sdelay $0x3  }
0x36: {  	p1 =	seq.s32 s10, $0x1;
	s10 =	sld [smem:$0x3FB9];
	_ =	sdelay $0x3  }
0x37: {  	[smem:$0x3FB9] =	sst s10  }
0x38: {  	s10 =	sld [smem:$0x3FBA]  }
0x39: {  	_ = 	snop;
	(pc) =	sbr.ind lr, $3  }
0x3a: {  	_ = 	snop  }
0x3b: {  	_ = 	snop  }
0x3c: {  	p2 =	seq.s32 s10, $0x1;
	s10 =	sld [smem:$0x3FB9]  }
0x3d: {  	_ =	shalt  }
0x3e: {  	_ =	shalt  }
0x3f: {  	_ =	shalt  }
0x40: {  	_ =	shalt  }
0x41: {  	_ =	shalt  }
0x42: {  	_ =	shalt  }
0x43: {  	_ =	shalt  }
0x44: {  	_ =	shalt  }
0x45: {  	_ =	shalt  }
0x46: {  	_ =	shalt  }
0x47: {  	_ =	shalt  }
0x48: {  	_ =	shalt  }
0x49: {  	_ =	shalt  }
0x4a: {  	_ =	shalt  }
0x4b: {  	_ =	shalt  }
0x4c: {  	_ =	shalt  }
0x4d: {  	_ =	shalt  }
0x4e: {  	_ =	shalt  }
0x4f: {  	_ =	shalt  }
0x50: {  	_ =	shalt  }
0x51: {  	_ =	shalt  }
0x52: {  	_ =	shalt  }
0x53: {  	_ =	shalt  }
0x54: {  	_ =	shalt  }
0x55: {  	_ =	shalt  }
0x56: {  	_ =	shalt  }
0x57: {  	_ =	shalt  }
0x58: {  	_ =	shalt  }
0x59: {  	_ =	shalt  }
0x5a: {  	_ =	shalt  }
0x5b: {  	_ =	shalt  }
0x5c: {  	_ =	shalt  }
0x5d: {  	_ =	shalt  }
0x5e: {  	_ =	shalt  }
0x5f: {  	_ =	shalt  }
0x60: {  	_ =	shalt  }
0x61: {  	_ =	shalt  }
0x62: {  	_ =	shalt  }
0x63: {  	_ =	shalt  }
0x64: {  	_ =	shalt  }
0x65: {  	_ =	shalt  }
0x66: {  	_ =	shalt  }
0x67: {  	_ =	shalt  }
0x68: {  	_ =	shalt  }
0x69: {  	_ =	shalt  }
0x6a: {  	_ =	shalt  }
0x6b: {  	_ =	shalt  }
0x6c: {  	_ =	shalt  }
0x6d: {  	_ =	shalt  }
0x6e: {  	_ =	shalt  }
0x6f: {  	_ =	shalt  }
0x70: {  	_ =	shalt  }
0x71: {  	_ =	shalt  }
0x72: {  	_ =	shalt  }
0x73: {  	_ =	shalt  }
0x74: {  	_ =	shalt  }
0x75: {  	_ =	shalt  }
0x76: {  	_ =	shalt  }
0x77: {  	_ =	shalt  }
0x78: {  	_ =	shalt  }
0x79: {  	_ =	shalt  }
0x7a: {  	_ =	shalt  }
0x7b: {  	_ =	shalt  }
0x7c: {  	_ =	shalt  }
0x7d: {  	_ =	shalt  }
0x7e: {  	_ =	shalt  }
0x7f: {  	_ =	shalt  }
0x80: {  	_ =	shalt  }
0x81: {  	_ =	shalt  }
0x82: {  	_ =	shalt  }
0x83: {  	_ =	shalt  }
0x84: {  	_ =	shalt  }
0x85: {  	_ =	shalt  }
0x86: {  	_ =	shalt  }
0x87: {  	_ =	shalt  }
.Lfunc_end0:
.L_simem_size_0:
called_computation_lowered:
.L_overlay_start_0:
0x88: {  	s0 =	sld [smem:$0x3FD9]  }
0x89: {  	s1 =	sld [smem:$0x3FFE];
	_ =	sdelay $0x3  }
0x8a: {  	s0 =	sadd.s32 s1, s0  }
0x8b: {  	[smem:$0x3FC5] =	sst s0  }
0x8c: {  	_ = 	snop  }
0x8d: {  	s0 =	sld [smem:$0x3FC9]  }
0x8e: {  	s17 =	sld [smem:$0x3FC8]  }
0x8f: {  	s2 =	sld [smem:$0x3FC7]  }
0x90: {  	s3 =	sld [smem:$0x3FD0];
	(tm) =	ssettm $0x1  }
0x91: {  	s4 =	sld [smem:$0x3FFB];
	_ =	sdelay $0x3  }
0x92: {  	_ =	strace s4  }
0x93: {  	s4 =	sld [smem:$0x3FFC];
	_ =	sdelay $0x3  }
0x94: {  	_ =	strace s4  }
0x95: {  	s4 =	sld [smem:$0x3FFD];
	_ =	sdelay $0x3  }
0x96: {  	_ =	strace s4  }
0x97: {  	_ =	strace $0x8FFFFFFF  }
0x98: {  	s18 =	sld [smem:$0x3FDB];
	_ =	sdelay $0x1  }
0x99: {  	s5 =	simm.s32 $_scs_section_size  }
0x9a: {  	s6 =	simm.s32 $_size__tile_overlayer_lowered;
	s7 =	simm.s32 $_tile_overlayer_lowered  }
0x9b: {  	s21 =	simm.s32 $0x1BFF;
	s20 =	sshll.u32 s7, $0x1;
	s4 =	sadd.s32 s5, s18  }
0x9c: {  	s8 =	simm.s32 $0x0;
	s19 =	sshll.u32 s6, $0x1;
	s6 =	sadd.s32 s20, s4  }
0x9d: {  	[timem:s8], [sflag:s21] =	dma.local [hbm:s6], s19  }
0x9e: {  	_ =	swait.ge [sflag:s21], s19  }
0x9f: {  	s5 =	ssub.s32 $0x0, s19;
	[sflag:s21] =	ssyncset.done $0x0  }
0xa0: {  	[sflag:s21] =	ssyncadd.s32 s5;
	_ =	sdelay $0x1  }
0xa1: {  	s22 =	simm.s32 $0x1B8B  }
0xa2: {  	_ =	swait.ge [sflag:s22], $0x1  }
0xa3: {  	[sflag:s22] =	ssyncset.done $0x0  }
0xa4: {  	s23 =	simm.s32 $0x1B8E;
	[sflag:s22] =	ssyncadd.s32 $0xFFFFFFFF  }
0xa5: {  	s24 =	simm.s32 $execute0_lowered;
	[smem:$0x3FD2] =	sst s23  }
0xa6: {  	s5 =	sshll.u32 s24, $0x1;
	_ =	strace $0x80000046;
	[dreg:$0x1] =	wrdreg $0xFFFFFFFF  }
0xa7: {  	s25 =	simm.s32 $_size_execute0_lowered;
	s4 =	sadd.s32 s4, s5;
	[dreg:$0x0] =	wrdreg $0x0  }
0xa8: {  	s5 =	sshll.u32 s25, $0x1;
	[dreg:$0x2] =	wrdreg s4  }
0xa9: {  	[dreg:$0x3] =	wrdreg s5  }
0xaa: {  	[dreg:$0x4] =	wrdreg $0xC0  }
0xab: {  	_ =	task [dreg:s8], $0x5FFFF  }
0xac: {  	[dreg:$0x1] =	wrdreg $0xFFFFFFFF  }
0xad: {  	[dreg:$0x0] =	wrdreg $0x60  }
0xae: {  	[dreg:$0x2] =	wrdreg s0  }
0xaf: {  	[dreg:$0x3] =	wrdreg s17  }
0xb0: {  	[dreg:$0x4] =	wrdreg s2  }
0xb1: {  	[dreg:$0x5] =	wrdreg s3  }
0xb2: {  	[dreg:$0x6] =	wrdreg $0x142000  }
0xb3: {  	[dreg:$0x7] =	wrdreg $0x11A000  }
0xb4: {  	[dreg:$0x8] =	wrdreg $0x9  }
0xb5: {  	_ =	task.clear_ibuf [dreg:s8], $0x9FFFF;
	_ =	strace $0x90000046  }
0xb6: {  	s26 =	simm.s32 $0x9;
	_ =	strace $0x80000048  }
0xb7: {  	_ =	swait.ge [sflag:s26], $0x1  }
0xb8: {  	[sflag:s26] =	ssyncadd.s32 $0xFFFFFFFF  }
0xb9: {  	_ =	strace $0x90000048  }
0xba: {  	_ =	sfence  }
0xbb: {  	s28 =	sld [smem:$0x0];
	_ =	sdelay $0x1  }
0xbc: {  	s29 =	srdreg.scid  }
0xbd: {  	s30 =	sshll.u32 s29, $0xD;
	s31 =	sshrl.u32 s29, $0x2  }
0xbe: {  	s1 =	sand.u32 $0x1, s29;
	s2 =	sand.u32 $0x4000, s30;
	s0 =	sadd.s32 s31, s28  }
0xbf: {  	s1 =	sor.u32 s2, s1;
	s0 =	sshll.u32 s0, $0x11  }
0xc0: {  	s0 =	sor.u32 s0, s1  }
0xc1: {  	s0 =	sadd.s32 $0x8F2B, s0  }
0xc2: {  	[sflag:s0] =	ssyncadd.remote.s32 $0x1  }
0xc3: {  	_ =	sfence.sel $0xFFFF  }
0xc4: {  	[dreg:$0x0] =	wrdreg $0xFFFFFFFF;
	(pc) =	sbr.abs _section_cstart, $3  }
0xc5: {  	[dreg:$0x1] =	wrdreg $0xFFFFFFFF  }
0xc6: {  	_ =	task.clear_ibuf [dreg:s8], $0x2FFFF;
	_ =	strace $0x9FFFFFFF  }
0xc7: {  	(tm) =	ssettm $0x7FFFFFFF  }
tec
execute0_lowered:
.L_overlay_start_1:
0x0: {  	(tag) =	ssettag $0x1  }
0x1: {  	s6 =	rddreg [dreg:$0x0]  }
0x2: {  	s3 =	rddreg [dreg:$0x1]  }
0x3: {  	s7 =	rddreg [dreg:$0x2]  }
0x4: {  	s2 =	rddreg [dreg:$0x3];
	s0 =	stileid.u32  }
0x5: {  	s4 =	rddreg [dreg:$0x4];
	s5 =	smul.u32 $0x4E20, s0  }
0x6: {  	s9 =	rddreg [dreg:$0x5]  }
0x7: {  	s8 =	simm.s32 $0x0;
	s30 =	simm.s32 $0x5000;
	s5 =	sshrl.u32 s5, $0x2  }
0x8: {  	s10 =	simm.s32 $0x2;
	[smem:$0x7FF] =	sst s8;
	s5 =	sand.u32 $0x1FFE0, s5  }
0x9: {  	_ =	strace $0x80000047;
	s3 =	sadd.s32 s3, s5;
	s5 =	smul.u32 $0x280, s0  }
0xa: {  	[tilespmem:s30], [sflag:$0x2] =	stream.linear.gather [hbm4b:s3+s8], $0x9D00, $0x38;
	[tilespmem:$0x14480] =	vst v63  }
0xb: {  	_ =	swait.ge [sflag:s10], $0x9D00  }
0xc: {  	s3 =	sshrl.u32 s5, $0x3;
	[sflag:s10] =	ssyncset.done $0x0  }
0xd: {  	s11 =	simm.s32 $0xED00;
	s7 =	sadd.s32 s7, s3;
	[sflag:s10] =	ssyncadd.s32 $0xFFFF6300  }
0xe: {  	[tilespmem:s11], [sflag:$0x2] =	stream.linear.gather [hbm4b:s7+s8], $0x280, $0x38;
	[tilespmem:$0x14480] =	vst v63  }
0xf: {  	_ =	swait.ge [sflag:s10], $0x280  }
0x10: {  	[sflag:s10] =	ssyncset.done $0x0  }
0x11: {  	s31 =	simm.s32 $0x11780;
	s6 =	sadd.s32 s6, s3;
	[sflag:s10] =	ssyncadd.s32 $0xFFFFFD80  }
0x12: {  	[tilespmem:s31], [sflag:$0x2] =	stream.linear.gather [hbm4b:s6+s8], $0x280, $0x38;
	[tilespmem:$0x14480] =	vst v63  }
0x13: {  	_ =	swait.ge [sflag:s10], $0x280  }
0x14: {  	[sflag:s10] =	ssyncset.done $0x0  }
0x15: {  	s6 =	simm.s32 $0x117A0;
	[sflag:s10] =	ssyncadd.s32 $0xFFFFFD80  }
0x16: {  	s7 =	simm.s32 $0xED20;
	v5 =	vld [tilespmem:s6+$0x10]  }
0x17: {  	v6 =	vld [tilespmem:s7+$0x10]  }
0x18: {  	v2 =	vld [tilespmem:s7+$0xFFFFFFE0]  }
0x19: {  	v0 =	vld [tilespmem:s6+$0xFFFFFFF0]  }
0x1a: {  	v4 =	vld [tilespmem:s7+$0xFFFFFFF0]  }
0x1b: {  	v1 =	vld [tilespmem:s6+$0x0]  }
0x1c: {  	v3 =	vld [tilespmem:s7+$0x0];
	v6 =	vmul.f32 v6, v5  }
0x1d: {  	s8 =	simm.s32 $0x0;
	s10 =	simm.s32 $0x117E0;
	v5 =	vld [tilespmem:s6+$0xFFFFFFE0]  }
.LBB2_1:
0x1e: {  	v7 =	vld [tilespmem:s10+$0x10];
	[tilespmem:s6+$0x10] =	vst v6;
	s7 =	sadd.s32 $0x40, s7  }
0x1f: {  	s8 =	sadd.s32 $0x4, s8;
	v6 =	vld [tilespmem:s7+$0x10];
	v4 =	vmul.f32 v4, v0  }
0x20: {  	p0 =	slt.u32 s8, $0x24;
	v8 =	vld [tilespmem:s7+$0xFFFFFFE0]  }
.Ltmp0:
0x21: {  	v0 =	vld [tilespmem:s10+$0xFFFFFFF0];
	[tilespmem:s6+$0xFFFFFFF0] =	vst v4;
	v3 =	vmul.f32 v3, v1;
	(pc) =	sbr.rel @p0 .LBB2_1-.Ltmp0, $4  }
0x22: {  	v4 =	vld [tilespmem:s7+$0xFFFFFFF0];
	v9 =	vmul.f32 v2, v5  }
0x23: {  	v1 =	vld [tilespmem:s10+$0x0];
	[tilespmem:s6+$0x0] =	vst v3  }
0x24: {  	v3 =	vld [tilespmem:s7+$0x0];
	v6 =	vmul.f32 v6, v7;
	[tilespmem:s6+$0xFFFFFFE0] =	vst v9;
	s6 =	smov.u32 s10  }
0x25: {  	s10 =	sadd.s32 $0x40, s10;
	v5 =	vld [tilespmem:s6+$0xFFFFFFE0];
	v2 =	vmov v8  }
0x26: {  	_ =	sdelay $0x1  }
0x27: {  	v0 =	vmul.f32 v4, v0  }
0x28: {  	[tilespmem:s6+$0x10] =	vst v6;
	v1 =	vmul.f32 v3, v1  }
0x29: {  	[tilespmem:s6+$0xFFFFFFF0] =	vst v0;
	v0 =	vmul.f32 v2, v5  }
0x2a: {  	[tilespmem:s6+$0x0] =	vst v1  }
0x2b: {  	s5 =	sadd.s32 s5, s4;
	s29 =	simm.s32 $0x11780;
	s30 =	simm.s32 $0x2;
	[tilespmem:s6+$0xFFFFFFE0] =	vst v0  }
0x2c: {  	[spmem:s5] =	stream.linear.scatter [tilespmem:s29], [sflag:$0x2], $0x280, $0x38;
	[tilespmem:$0x14480] =	vst v63  }
0x2d: {  	_ =	swait.ge [sflag:s30], $0x280  }
0x2e: {  	[sflag:s30] =	ssyncset.done $0x0  }
0x2f: {  	[sflag:s30] =	ssyncadd.s32 $0xFFFFFD80  }
0x30: {  	s31 =	simm.s32 $0x0;
	s6 =	simm.s32 $0x2840;
	[bflag:$0x0] =	sbarrier.arrive $0xFFFF  }
0x31: {  	v0 =	vimm.f32 $0.0e+00;
	[tilespmem:s31], [sflag:$0x1] =	stream.linear.gather [spmem:s4], $0x2800, $0x38;
	[tilespmem:$0x14480] =	vst v63  }
0x32: {  	[tilespmem:s6+$0xFFFFFFC0] =	vst v0  }
0x33: {  	[tilespmem:s6+$0x30] =	vst v0  }
0x34: {  	[tilespmem:s6+$0x20] =	vst v0  }
0x35: {  	[tilespmem:s6+$0x10] =	vst v0  }
0x36: {  	[tilespmem:s6+$0x0] =	vst v0  }
0x37: {  	[tilespmem:s6+$0xFFFFFFF0] =	vst v0  }
0x38: {  	s7 =	simm.s32 $0x0;
	[tilespmem:s6+$0xFFFFFFE0] =	vst v0  }
.LBB2_3:
0x39: {  	s7 =	sadd.s32 $0x8, s7;
	[tilespmem:s6+$0xFFFFFFD0] =	vst v0;
	s6 =	sadd.s32 $0x80, s6  }
0x3a: {  	[tilespmem:s6+$0xFFFFFFC0] =	vst v0;
	p0 =	slt.u32 s7, $0x278  }
0x3b: {  	[tilespmem:s6+$0x30] =	vst v0  }
.Ltmp1:
0x3c: {  	[tilespmem:s6+$0x20] =	vst v0;
	(pc) =	sbr.rel @p0 .LBB2_3-.Ltmp1, $4  }
0x3d: {  	[tilespmem:s6+$0x10] =	vst v0  }
0x3e: {  	[tilespmem:s6+$0x0] =	vst v0  }
0x3f: {  	[tilespmem:s6+$0xFFFFFFF0] =	vst v0  }
0x40: {  	[tilespmem:s6+$0xFFFFFFE0] =	vst v0  }
0x41: {  	s12 =	simm.s32 $0x1;
	s7 =	sshll.u32 s0, $0x5  }
0x42: {  	[tilespmem:s6+$0xFFFFFFD0] =	vst v0;
	s8 =	sshll.u32 s0, $0x1;
	s6 =	sand.u32 $0x3, s0;
	s18 =	sadd.s32 $0x1, s0  }
0x43: {  	s20 =	sadd.s32 $0xFFFFFFFF, s0;
	_ =	swait.ge [sflag:s12], $0x2800;
	s7 =	sand.u32 $0x60, s7  }
0x44: {  	s10 =	sadd.s32 $0x2, s8;
	s15 =	sxor.u32 $0x4, s8;
	s16 =	sadd.s32 $0x6, s8  }
0x45: {  	s8 =	sadd.s32 $0x4, s8;
	s20 =	sand.u32 $0x3, s20;
	s22 =	sshll.u32 s6, $0x7  }
0x46: {  	[sflag:s12] =	ssyncset.done $0x0;
	s14 =	sxor.u32 $0x40, s7;
	s13 =	sand.u32 $0x6, s10  }
0x47: {  	s10 =	sand.u32 $0x6, s16;
	s16 =	sshll.u32 s6, $0x8;
	s23 =	sor.u32 $0x400, s22  }
0x48: {  	s7 =	sand.u32 $0x3, s18;
	s8 =	sand.u32 $0x6, s8;
	s25 =	sshrl.u32 s23, $0x2  }
0x49: {  	[sflag:s12] =	ssyncadd.s32 $0xFFFFD800;
	s11 =	sshll.u32 s13, $0x6;
	s17 =	sadd.s32 $0x100, s16;
	v1 =	vmov s25  }
0x4a: {  	s13 =	sadd.s32 $0x180, s16;
	s19 =	sadd.s32 $0x280, s16;
	s21 =	sshll.u32 s8, $0x6  }
0x4b: {  	s8 =	sshll.u32 s20, $0x7;
	s13 =	sand.u32 $0x400, s13;
	s18 =	sand.u32 $0x400, s19  }
0x4c: {  	s19 =	sadd.s32 $0x3FC, s16;
	s18 =	sor.u32 s21, s18;
	s21 =	sadd.s32 $0x380, s16  }
0x4d: {  	s20 =	sand.u32 $0x400, s21;
	s21 =	sshll.u32 s7, $0x7;
	s7 =	simm.s32 $0x5000  }
0x4e: {  	s12 =	sand.u32 $0x400, s17;
	s17 =	sor.u32 s11, s13;
	s13 =	sand.u32 $0x400, s19;
	v12 =	vld.idx.msk [tilespmem:v1+s7+$0xFFFFFF90 ss:$0x1], $0xffff  }
0x4f: {  	s19 =	sor.u32 s8, s13;
	v20 =	vld.idx.msk [tilespmem:v1+s7+$0x80 ss:$0x1], $0xffff  }
0x50: {  	s18 =	sor.u32 $0x240, s18;
	s19 =	sshrl.u32 s19, $0x2;
	v27 =	vld.idx.msk [tilespmem:v1+s7+$0x90 ss:$0x1], $0xffff  }
0x51: {  	s17 =	sor.u32 $0x240, s17;
	s18 =	sshrl.u32 s18, $0x2;
	v0 =	vmov s19;
	v25 =	vld.idx.msk [tilespmem:v1+s7+$0xFFFFFF80 ss:$0x1], $0xffff  }
0x52: {  	s17 =	sshrl.u32 s17, $0x2;
	v6 =	vmov s18;
	v29 =	vld.idx.msk [tilespmem:v1+s7+$0xFFFFFF00 ss:$0x1], $0xffff  }
0x53: {  	v7 =	vmov s17;
	v36 =	vld.idx.msk [tilespmem:v1+s7+$0xFFFFFF10 ss:$0x1], $0xffff  }
0x54: {  	s15 =	sand.u32 $0x6, s15;
	v62 =	vld.idx.msk [tilespmem:v1+s7+$0x10 ss:$0x1], $0xffff  }
0x55: {  	s10 =	sshll.u32 s10, $0x6;
	s29 =	sadd.s32 $0x200, s16;
	s26 =	sor.u32 s21, s12;
	v63 =	vld.idx.msk [tilespmem:v1+s7+$0x0 ss:$0x1], $0xffff  }
0x56: {  	s30 =	sadd.s32 $0x600, s16;
	s20 =	sor.u32 s10, s20;
	s17 =	sshrl.u32 s26, $0x2;
	v8 =	vld.idx.msk [tilespmem:v0+s7+$0x80 ss:$0x1], $0xffff  }
0x57: {  	s14 =	sshll.u32 s14, $0x2;
	s31 =	sadd.s32 $0x500, s16;
	s24 =	sor.u32 $0x240, s20;
	v2 =	vmov s17;
	v10 =	vld.idx.msk [tilespmem:v6+s7+$0x0 ss:$0x1], $0xffff  }
0x58: {  	s23 =	sand.u32 $0xC00, s31;
	s19 =	sand.u32 $0x400, s29;
	s28 =	sshrl.u32 s24, $0x2;
	v11 =	vld.idx.msk [tilespmem:v7+s7+$0x0 ss:$0x1], $0xffff  }
0x59: {  	s18 =	sshll.u32 s15, $0x6;
	s15 =	sor.u32 s11, s23;
	s22 =	sor.u32 s14, s19;
	v9 =	vmov s28;
	v19 =	vld.idx.msk [tilespmem:v6+s7+$0xFFFFFF80 ss:$0x1], $0xffff  }
0x5a: {  	s1 =	sand.u32 $0xC00, s30;
	s24 =	sor.u32 $0x240, s15;
	s22 =	sshrl.u32 s22, $0x2;
	v34 =	vld.idx.msk [tilespmem:v7+s7+$0xFFFFFF80 ss:$0x1], $0xffff  }
0x5b: {  	s14 =	sor.u32 s14, s1;
	s28 =	sshrl.u32 s24, $0x2;
	v3 =	vmov s22;
	v38 =	vld.idx.msk [tilespmem:v0+s7+$0x0 ss:$0x1], $0xffff  }
0x5c: {  	s16 =	sadd.s32 $0x700, s16;
	s25 =	sor.u32 $0x200, s14;
	v14 =	vmov s28;
	v18 =	vld.idx.msk [tilespmem:v2+s7+$0x80 ss:$0x1], $0xffff  }
0x5d: {  	s26 =	sand.u32 $0xC00, s16;
	s16 =	sor.u32 s18, s1;
	s17 =	sshrl.u32 s25, $0x2;
	v35 =	vld.idx.msk [tilespmem:v2+s7+$0x0 ss:$0x1], $0xffff  }
0x5e: {  	s29 =	sor.u32 $0x240, s16;
	v13 =	vmov s17;
	s17 =	sor.u32 s10, s26;
	v16 =	vld.idx.msk [tilespmem:v9+s7+$0x0 ss:$0x1], $0xffff  }
0x5f: {  	s8 =	sor.u32 s8, s26;
	s24 =	sshrl.u32 s29, $0x2;
	s30 =	sor.u32 $0x240, s17;
	v40 =	vld.idx.msk [tilespmem:v9+s7+$0xFFFFFF80 ss:$0x1], $0xffff  }
0x60: {  	s8 =	sor.u32 $0x200, s8;
	v15 =	vmov s24;
	s20 =	sshrl.u32 s30, $0x2;
	v28 =	vld.idx.msk [tilespmem:v3+s7+$0x80 ss:$0x1], $0xffff  }
0x61: {  	s8 =	sshrl.u32 s8, $0x2;
	v17 =	vmov s20;
	v24 =	vld.idx.msk [tilespmem:v14+s7+$0x0 ss:$0x1], $0xffff  }
0x62: {  	v5 =	vmov s8;
	v33 =	vld.idx.msk [tilespmem:v3+s7+$0x0 ss:$0x1], $0xffff  }
0x63: {  	v26 =	vld.idx.msk [tilespmem:v13+s7+$0x0 ss:$0x1], $0xffff  }
0x64: {  	v21 =	vld.idx.msk [tilespmem:v13+s7+$0xFFFFFF80 ss:$0x1], $0xffff  }
0x65: {  	s31 =	sor.u32 s21, s23;
	v22 =	vld.idx.msk [tilespmem:v15+s7+$0xFFFFFF80 ss:$0x1], $0xffff  }
0x66: {  	s20 =	sshrl.u32 s31, $0x2;
	v30 =	vld.idx.msk [tilespmem:v17+s7+$0xFFFFFF80 ss:$0x1], $0xffff  }
0x67: {  	v4 =	vmov s20;
	s20 =	simm.s32 $0x0;
	v32 =	vld.idx.msk [tilespmem:v5+s7+$0x0 ss:$0x1], $0xffff  }
0x68: {  	v29 =	vld.idx.msk [tilespmem:v29+s20+$0x0], $0xffff  }
0x69: {  	v37 =	vld.idx.msk [tilespmem:v15+s7+$0x0 ss:$0x1], $0xffff  }
0x6a: {  	v39 =	vld.idx.msk [tilespmem:v5+s7+$0xFFFFFF80 ss:$0x1], $0xffff  }
0x6b: {  	v23 =	vld.idx.msk [tilespmem:v17+s7+$0x0 ss:$0x1], $0xffff  }
0x6c: {  	s8 =	simm.s32 $0x2800;
	v31 =	vld.idx.msk [tilespmem:v4+s7+$0x80 ss:$0x1], $0xffff  }
0x6d: {  	[tilespmem:v25+s8+$0x0] =	vst.idx.add.f32.msk $0xffff, v29  }
0x6e: {  	v30 =	vld.idx.msk [tilespmem:v30+s20+$0x0], $0xffff  }
0x6f: {  	v25 =	vld.idx.msk [tilespmem:v4+s7+$0x0 ss:$0x1], $0xffff  }
0x70: {  	v29 =	vld.idx.msk [tilespmem:v62+s20+$0x0], $0xffff  }
0x71: {  	v33 =	vld.idx.msk [tilespmem:v33+s20+$0x0], $0xffff  }
0x72: {  	v39 =	vld.idx.msk [tilespmem:v39+s20+$0x0], $0xffff  }
0x73: {  	[tilespmem:v23+s8+$0x0] =	vst.idx.add.f32.msk $0xffff, v30  }
0x74: {  	v23 =	vld.idx.msk [tilespmem:v14+s7+$0xFFFFFF80 ss:$0x1], $0xffff  }
0x75: {  	v41 =	vld.idx.msk [tilespmem:v22+s20+$0x0], $0xffff  }
0x76: {  	v42 =	vld.idx.msk [tilespmem:v21+s20+$0x0], $0xffff  }
0x77: {  	v22 =	vld.idx.msk [tilespmem:v63+s20+$0x0], $0xffff  }
0x78: {  	v21 =	vld.idx.msk [tilespmem:v38+s20+$0x0], $0xffff  }
0x79: {  	[tilespmem:v27+s8+$0x0] =	vst.idx.add.f32.msk $0xffff, v29  }
0x7a: {  	[tilespmem:v28+s8+$0x0] =	vst.idx.add.f32.msk $0xffff, v33  }
0x7b: {  	[tilespmem:v32+s8+$0x0] =	vst.idx.add.f32.msk $0xffff, v39  }
0x7c: {  	v43 =	vld.idx.msk [tilespmem:v23+s20+$0x0], $0xffff  }
0x7d: {  	v23 =	vld.idx.msk [tilespmem:v25+s20+$0x0], $0xffff  }
0x7e: {  	[tilespmem:v37+s8+$0x0] =	vst.idx.add.f32.msk $0xffff, v41  }
0x7f: {  	[tilespmem:v26+s8+$0x0] =	vst.idx.add.f32.msk $0xffff, v42  }
0x80: {  	v26 =	vld.idx.msk [tilespmem:v36+s20+$0x0], $0xffff  }
0x81: {  	v25 =	vld.idx.msk [tilespmem:v35+s20+$0x0], $0xffff  }
0x82: {  	[tilespmem:v31+s8+$0x0] =	vst.idx.add.f32.msk $0xffff, v23  }
0x83: {  	v23 =	vld.idx.msk [tilespmem:v40+s20+$0x0], $0xffff  }
0x84: {  	[tilespmem:v24+s8+$0x0] =	vst.idx.add.f32.msk $0xffff, v43  }
0x85: {  	s21 =	simm.s32 $0x0;
	v24 =	vld.idx.msk [tilespmem:v34+s20+$0x0], $0xffff  }
.LBB2_5:
0x86: {  	s21 =	sadd.s32 $0x10, s21;
	[tilespmem:v20+s8+$0x0] =	vst.idx.add.f32.msk $0xffff, v22;
	s7 =	sadd.s32 $0x200, s7  }
0x87: {  	p0 =	slt.u32 s21, $0x4D0;
	v19 =	vld.idx.msk [tilespmem:v19+s20+$0x0], $0xffff  }
0x88: {  	[tilespmem:v18+s8+$0x0] =	vst.idx.add.f32.msk $0xffff, v25  }
0x89: {  	[tilespmem:v16+s8+$0x0] =	vst.idx.add.f32.msk $0xffff, v23  }
0x8a: {  	[tilespmem:v12+s8+$0x0] =	vst.idx.add.f32.msk $0xffff, v26  }
0x8b: {  	[tilespmem:v11+s8+$0x0] =	vst.idx.add.f32.msk $0xffff, v24  }
0x8c: {  	[tilespmem:v8+s8+$0x0] =	vst.idx.add.f32.msk $0xffff, v21  }
0x8d: {  	[tilespmem:v10+s8+$0x0] =	vst.idx.add.f32.msk $0xffff, v19  }
0x8e: {  	v8 =	vld.idx.msk [tilespmem:v0+s7+$0x80 ss:$0x1], $0xffff  }
0x8f: {  	v10 =	vld.idx.msk [tilespmem:v6+s7+$0x0 ss:$0x1], $0xffff  }
0x90: {  	v11 =	vld.idx.msk [tilespmem:v7+s7+$0x0 ss:$0x1], $0xffff  }
0x91: {  	v12 =	vld.idx.msk [tilespmem:v1+s7+$0xFFFFFF90 ss:$0x1], $0xffff  }
0x92: {  	v16 =	vld.idx.msk [tilespmem:v9+s7+$0x0 ss:$0x1], $0xffff  }
0x93: {  	v18 =	vld.idx.msk [tilespmem:v2+s7+$0x80 ss:$0x1], $0xffff  }
0x94: {  	v19 =	vld.idx.msk [tilespmem:v6+s7+$0xFFFFFF80 ss:$0x1], $0xffff  }
0x95: {  	v20 =	vld.idx.msk [tilespmem:v1+s7+$0x80 ss:$0x1], $0xffff  }
0x96: {  	v27 =	vld.idx.msk [tilespmem:v1+s7+$0x90 ss:$0x1], $0xffff  }
0x97: {  	v28 =	vld.idx.msk [tilespmem:v3+s7+$0x80 ss:$0x1], $0xffff  }
0x98: {  	v26 =	vld.idx.msk [tilespmem:v13+s7+$0x0 ss:$0x1], $0xffff  }
0x99: {  	v24 =	vld.idx.msk [tilespmem:v14+s7+$0x0 ss:$0x1], $0xffff  }
0x9a: {  	v21 =	vld.idx.msk [tilespmem:v13+s7+$0xFFFFFF80 ss:$0x1], $0xffff  }
0x9b: {  	v22 =	vld.idx.msk [tilespmem:v15+s7+$0xFFFFFF80 ss:$0x1], $0xffff  }
0x9c: {  	v23 =	vld.idx.msk [tilespmem:v17+s7+$0x0 ss:$0x1], $0xffff  }
0x9d: {  	v25 =	vld.idx.msk [tilespmem:v1+s7+$0xFFFFFF80 ss:$0x1], $0xffff  }
0x9e: {  	v29 =	vld.idx.msk [tilespmem:v1+s7+$0xFFFFFF00 ss:$0x1], $0xffff  }
0x9f: {  	v30 =	vld.idx.msk [tilespmem:v17+s7+$0xFFFFFF80 ss:$0x1], $0xffff  }
0xa0: {  	v31 =	vld.idx.msk [tilespmem:v4+s7+$0x80 ss:$0x1], $0xffff  }
0xa1: {  	v32 =	vld.idx.msk [tilespmem:v5+s7+$0x0 ss:$0x1], $0xffff  }
0xa2: {  	v33 =	vld.idx.msk [tilespmem:v3+s7+$0x0 ss:$0x1], $0xffff  }
0xa3: {  	v34 =	vld.idx.msk [tilespmem:v7+s7+$0xFFFFFF80 ss:$0x1], $0xffff  }
0xa4: {  	v35 =	vld.idx.msk [tilespmem:v2+s7+$0x0 ss:$0x1], $0xffff  }
0xa5: {  	v36 =	vld.idx.msk [tilespmem:v1+s7+$0xFFFFFF10 ss:$0x1], $0xffff  }
0xa6: {  	v29 =	vld.idx.msk [tilespmem:v29+s20+$0x0], $0xffff  }
0xa7: {  	v30 =	vld.idx.msk [tilespmem:v30+s20+$0x0], $0xffff  }
0xa8: {  	v37 =	vld.idx.msk [tilespmem:v15+s7+$0x0 ss:$0x1], $0xffff  }
0xa9: {  	v38 =	vld.idx.msk [tilespmem:v0+s7+$0x0 ss:$0x1], $0xffff  }
0xaa: {  	v33 =	vld.idx.msk [tilespmem:v33+s20+$0x0], $0xffff  }
0xab: {  	v39 =	vld.idx.msk [tilespmem:v5+s7+$0xFFFFFF80 ss:$0x1], $0xffff  }
0xac: {  	[tilespmem:v25+s8+$0x0] =	vst.idx.add.f32.msk $0xffff, v29  }
0xad: {  	[tilespmem:v23+s8+$0x0] =	vst.idx.add.f32.msk $0xffff, v30  }
0xae: {  	v23 =	vld.idx.msk [tilespmem:v14+s7+$0xFFFFFF80 ss:$0x1], $0xffff  }
0xaf: {  	v25 =	vld.idx.msk [tilespmem:v4+s7+$0x0 ss:$0x1], $0xffff  }
0xb0: {  	v29 =	vld.idx.msk [tilespmem:v1+s7+$0x10 ss:$0x1], $0xffff  }
0xb1: {  	v30 =	vld.idx.msk [tilespmem:v1+s7+$0x0 ss:$0x1], $0xffff  }
0xb2: {  	v40 =	vld.idx.msk [tilespmem:v9+s7+$0xFFFFFF80 ss:$0x1], $0xffff  }
0xb3: {  	v39 =	vld.idx.msk [tilespmem:v39+s20+$0x0], $0xffff  }
0xb4: {  	v41 =	vld.idx.msk [tilespmem:v22+s20+$0x0], $0xffff  }
0xb5: {  	v42 =	vld.idx.msk [tilespmem:v21+s20+$0x0], $0xffff  }
0xb6: {  	v43 =	vld.idx.msk [tilespmem:v23+s20+$0x0], $0xffff  }
0xb7: {  	v23 =	vld.idx.msk [tilespmem:v25+s20+$0x0], $0xffff  }
0xb8: {  	v29 =	vld.idx.msk [tilespmem:v29+s20+$0x0], $0xffff  }
0xb9: {  	[tilespmem:v32+s8+$0x0] =	vst.idx.add.f32.msk $0xffff, v39  }
0xba: {  	v22 =	vld.idx.msk [tilespmem:v30+s20+$0x0], $0xffff  }
0xbb: {  	[tilespmem:v37+s8+$0x0] =	vst.idx.add.f32.msk $0xffff, v41  }
0xbc: {  	v21 =	vld.idx.msk [tilespmem:v38+s20+$0x0], $0xffff  }
0xbd: {  	[tilespmem:v31+s8+$0x0] =	vst.idx.add.f32.msk $0xffff, v23  }
0xbe: {  	v23 =	vld.idx.msk [tilespmem:v40+s20+$0x0], $0xffff  }
0xbf: {  	[tilespmem:v24+s8+$0x0] =	vst.idx.add.f32.msk $0xffff, v43  }
0xc0: {  	v24 =	vld.idx.msk [tilespmem:v34+s20+$0x0], $0xffff  }
.Ltmp2:
0xc1: {  	v25 =	vld.idx.msk [tilespmem:v35+s20+$0x0], $0xffff;
	(pc) =	sbr.rel @p0 .LBB2_5-.Ltmp2, $4  }
0xc2: {  	[tilespmem:v26+s8+$0x0] =	vst.idx.add.f32.msk $0xffff, v42  }
0xc3: {  	v26 =	vld.idx.msk [tilespmem:v36+s20+$0x0], $0xffff  }
0xc4: {  	[tilespmem:v28+s8+$0x0] =	vst.idx.add.f32.msk $0xffff, v33  }
0xc5: {  	[tilespmem:v27+s8+$0x0] =	vst.idx.add.f32.msk $0xffff, v29  }
0xc6: {  	_ =	sdelay $0x3  }
0xc7: {  	[tilespmem:v20+s8+$0x0] =	vst.idx.add.f32.msk $0xffff, v22  }
0xc8: {  	v6 =	vld.idx.msk [tilespmem:v19+s20+$0x0], $0xffff  }
0xc9: {  	[tilespmem:v18+s8+$0x0] =	vst.idx.add.f32.msk $0xffff, v25  }
0xca: {  	[tilespmem:v16+s8+$0x0] =	vst.idx.add.f32.msk $0xffff, v23  }
0xcb: {  	[tilespmem:v11+s8+$0x0] =	vst.idx.add.f32.msk $0xffff, v24  }
0xcc: {  	s7 =	sshll.u32 s6, $0x6;
	[tilespmem:v8+s8+$0x0] =	vst.idx.add.f32.msk $0xffff, v21  }
0xcd: {  	s31 =	sshll.u32 s6, $0x5;
	s21 =	simm.s32 $0x2800;
	s22 =	simm.s32 $0x0;
	[tilespmem:v12+s8+$0x0] =	vst.idx.add.f32.msk $0xffff, v26  }
0xce: {  	s20 =	sor.u32 $0x9C00, s7;
	s6 =	sor.u32 $0x5000, s31;
	[tilespmem:v10+s8+$0x0] =	vst.idx.add.f32.msk $0xffff, v6;
	s8 =	simm.s32 $0x0  }
.LBB2_7:
0xcf: {  	s23 =	sand.u32 $0x3FFFFF00, s20  }
0xd0: {  	s24 =	sshra.s32 s22, $0x2;
	s23 =	sadd.s32 s23, s6  }
0xd1: {  	s23 =	sadd.s32 s24, s23  }
0xd2: {  	v6 =	vld [tilespmem:s23+$0x0];
	_ =	sdelay $0x4  }
0xd3: {  	v7 =	vld [tilespmem:s23+$0x80];
	_ =	sdelay $0x2  }
0xd4: {  	p0 =	sne.s32 s22, $0x40;
	v6 =	vld.idx.msk [tilespmem:v6+s8+$0x0], $0xffff  }
.Ltmp3:
0xd5: {  	_ = 	snop;
	(pc) =	sbr.rel @p0 .LBB2_7-.Ltmp3, $2  }
0xd6: {  	_ =	sdelay $0x2  }
0xd7: {  	s20 =	sadd.s32 $0x20, s20;
	s22 =	sadd.s32 $0x40, s22;
	[tilespmem:v7+s21+$0x0] =	vst.idx.add.f32.msk $0xffff, v6  }
0xd8: {  	s8 =	sshrl.u32 s0, $0x3  }
0xd9: {  	s8 =	smul.u32 $0x50000, s8;
	_ =	sdelay $0x1  }
0xda: {  	s20 =	sshll.u32 s0, $0x7;
	s31 =	simm.s32 $0x80;
	s8 =	sshrl.u32 s8, $0x2  }
0xdb: {  	s21 =	simm.s32 $0x400;
	s20 =	sand.u32 $0x380, s20;
	s8 =	sadd.s32 s8, s9  }
0xdc: {  	s22 =	simm.s32 $0x2800;
	s1 =	simm.s32 $0x2;
	s8 =	sadd.s32 s20, s8  }
0xdd: {  	[spmem:s8] =	stream.strided.scatter [tilespmem:s22], [sflag:$0x2], $0x2800, s21, s31, $0x38;
	[tilespmem:$0x14480] =	vst v63  }
0xde: {  	s25 =	smul.u32 $0x5000, s0;
	_ =	swait.ge [sflag:s1], $0x2800  }
0xdf: {  	s26 =	simm.s32 $0x1400;
	s28 =	simm.s32 $0x14000;
	[sflag:s1] =	ssyncset.done $0x0  }
0xe0: {  	s23 =	simm.s32 $0xEF80;
	s20 =	sshrl.u32 s25, $0x2;
	[sflag:s1] =	ssyncadd.s32 $0xFFFFD800  }
0xe1: {  	s9 =	sadd.s32 s20, s9;
	s21 =	simm.s32 $0x0;
	[bflag:$0x0] =	sbarrier.arrive $0xFFFF  }
0xe2: {  	[tilespmem:s23], [sflag:$0x2] =	stream.strided.gather [spmem:s9], $0x2800, s28, s26, $0x38;
	[tilespmem:$0x14480] =	vst v63  }
0xe3: {  	s20 =	sand.u32 $0x60, s21;
	s23 =	sand.u32 $0x1C00, s21;
	_ =	swait.ge [sflag:s1], $0x2800  }
0xe4: {  	s25 =	sor.u32 $0x10, s20;
	s24 =	sadd.s32 $0xEF80, s23;
	[sflag:s1] =	ssyncset.done $0x0  }
0xe5: {  	s31 =	sor.u32 s25, s24;
	[sflag:s1] =	ssyncadd.s32 $0xFFFFD800  }
0xe6: {  	v6 =	vld [tilespmem:s31+$0x0]  }
0xe7: {  	s24 =	sor.u32 s20, s24;
	v7 =	vld [tilespmem:s31+$0x80]  }
0xe8: {  	v8 =	vld [tilespmem:s24+$0x0]  }
0xe9: {  	v9 =	vld [tilespmem:s31+$0x100]  }
0xea: {  	v10 =	vld [tilespmem:s24+$0x80]  }
0xeb: {  	v11 =	vld [tilespmem:s31+$0x180]  }
0xec: {  	v12 =	vld [tilespmem:s24+$0x100]  }
0xed: {  	v13 =	vld [tilespmem:s31+$0x200]  }
0xee: {  	v14 =	vld [tilespmem:s24+$0x180]  }
0xef: {  	v15 =	vld [tilespmem:s31+$0x280]  }
0xf0: {  	v16 =	vld [tilespmem:s24+$0x200]  }
0xf1: {  	v17 =	vld [tilespmem:s31+$0x300]  }
0xf2: {  	v18 =	vld [tilespmem:s24+$0x280]  }
0xf3: {  	s26 =	sor.u32 $0x10380, s23;
	v19 =	vld [tilespmem:s31+$0x380]  }
0xf4: {  	s1 =	sor.u32 s25, s26;
	v20 =	vld [tilespmem:s24+$0x300]  }
0xf5: {  	s28 =	sadd.s32 $0x10400, s23;
	v21 =	vld [tilespmem:s1+$0x0]  }
0xf6: {  	v22 =	vld [tilespmem:s24+$0x380];
	s31 =	sor.u32 s25, s28  }
0xf7: {  	s1 =	sor.u32 s20, s26;
	s26 =	sadd.s32 $0x10480, s23;
	v23 =	vld [tilespmem:s31+$0x0]  }
0xf8: {  	v24 =	vld [tilespmem:s1+$0x0];
	s31 =	sor.u32 s25, s26  }
0xf9: {  	s1 =	sor.u32 s20, s28;
	s28 =	sadd.s32 $0x10500, s23;
	v25 =	vld [tilespmem:s31+$0x0]  }
0xfa: {  	v26 =	vld [tilespmem:s1+$0x0];
	s31 =	sor.u32 s25, s28  }
0xfb: {  	s1 =	sor.u32 s20, s26;
	s26 =	sadd.s32 $0x10580, s23;
	v27 =	vld [tilespmem:s31+$0x0]  }
0xfc: {  	v28 =	vld [tilespmem:s1+$0x0];
	s31 =	sor.u32 s25, s26  }
0xfd: {  	s1 =	sor.u32 s20, s28;
	s28 =	sadd.s32 $0x10600, s23;
	v29 =	vld [tilespmem:s31+$0x0]  }
0xfe: {  	v30 =	vld [tilespmem:s1+$0x0];
	s31 =	sor.u32 s25, s28  }
0xff: {  	s1 =	sor.u32 s20, s26;
	s26 =	sadd.s32 $0x10680, s23;
	v31 =	vld [tilespmem:s31+$0x0]  }
0x100: {  	v32 =	vld [tilespmem:s1+$0x0];
	s24 =	sor.u32 s25, s26  }
0x101: {  	s31 =	sor.u32 s20, s28;
	v33 =	vld [tilespmem:s24+$0x0]  }
0x102: {  	s1 =	sadd.s32 $0x10700, s23;
	s26 =	sor.u32 s20, s26;
	v34 =	vld [tilespmem:s31+$0x0]  }
0x103: {  	s21 =	sand.u32 $0x380, s21;
	s23 =	simm.s32 $0x20;
	s24 =	sor.u32 s25, s1;
	v36 =	vld [tilespmem:s26+$0x0]  }
0x104: {  	v6 =	vadd.f32 v7, v6;
	s31 =	simm.s32 $0x100;
	s1 =	sor.u32 s20, s1;
	s26 =	sand.u32 $0x60, s23;
	v35 =	vld [tilespmem:s24+$0x0]  }
0x105: {  	v7 =	vadd.f32 v10, v8;
	s20 =	simm.s32 $0xED00;
	s24 =	sor.u32 s21, s25;
	s21 =	sand.u32 $0x1C00, s31;
	v10 =	vld [tilespmem:s1+$0x0]  }
0x106: {  	s25 =	sor.u32 $0x10, s26;
	v6 =	vadd.f32 v9, v6;
	v9 =	vld [tilespmem:s20+$0x0];
	s31 =	sadd.s32 $0xEF80, s21  }
0x107: {  	v8 =	vld [tilespmem:s24+$0xED00];
	s1 =	sor.u32 s25, s31  }
0x108: {  	v7 =	vadd.f32 v12, v7;
	v12 =	vld [tilespmem:s1+$0x0]  }
0x109: {  	v6 =	vadd.f32 v11, v6;
	s28 =	sor.u32 s26, s31;
	v11 =	vld [tilespmem:s1+$0x80]  }
0x10a: {  	v7 =	vadd.f32 v14, v7;
	v14 =	vld [tilespmem:s28+$0x0]  }
0x10b: {  	v6 =	vadd.f32 v13, v6;
	v13 =	vld [tilespmem:s1+$0x100]  }
0x10c: {  	v53 =	vld [tilespmem:s28+$0x80];
	v7 =	vadd.f32 v16, v7  }
0x10d: {  	v6 =	vadd.f32 v15, v6;
	v15 =	vld [tilespmem:s1+$0x180]  }
0x10e: {  	v7 =	vadd.f32 v18, v7;
	v11 =	vadd.f32 v11, v12;
	v12 =	vld [tilespmem:s28+$0x100]  }
0x10f: {  	v54 =	vld [tilespmem:s1+$0x200];
	v6 =	vadd.f32 v17, v6  }
0x110: {  	v7 =	vadd.f32 v20, v7;
	v11 =	vadd.f32 v13, v11;
	v13 =	vld [tilespmem:s28+$0x180]  }
0x111: {  	v55 =	vld [tilespmem:s1+$0x280];
	v14 =	vadd.f32 v53, v14;
	v6 =	vadd.f32 v19, v6  }
0x112: {  	v7 =	vadd.f32 v22, v7;
	v11 =	vadd.f32 v15, v11;
	v15 =	vld [tilespmem:s28+$0x200]  }
0x113: {  	v56 =	vld [tilespmem:s1+$0x300];
	v6 =	vadd.f32 v21, v6;
	v12 =	vadd.f32 v12, v14  }
0x114: {  	v7 =	vadd.f32 v24, v7;
	v14 =	vld [tilespmem:s28+$0x280];
	v11 =	vadd.f32 v54, v11  }
0x115: {  	s29 =	sor.u32 $0x10380, s21;
	v57 =	vld [tilespmem:s1+$0x380];
	v6 =	vadd.f32 v23, v6;
	v12 =	vadd.f32 v13, v12  }
0x116: {  	s31 =	sor.u32 s25, s29;
	v7 =	vadd.f32 v26, v7;
	v13 =	vld [tilespmem:s28+$0x300];
	v11 =	vadd.f32 v55, v11  }
0x117: {  	s30 =	sadd.s32 $0x10400, s21;
	v58 =	vld [tilespmem:s31+$0x0];
	v6 =	vadd.f32 v25, v6;
	v12 =	vadd.f32 v15, v12  }
0x118: {  	s1 =	sor.u32 s25, s30;
	v7 =	vadd.f32 v28, v7;
	v15 =	vld [tilespmem:s28+$0x380];
	v11 =	vadd.f32 v56, v11  }
0x119: {  	s31 =	sor.u32 s26, s29;
	s29 =	sadd.s32 $0x10480, s21;
	v59 =	vld [tilespmem:s1+$0x0];
	v6 =	vadd.f32 v27, v6;
	v12 =	vadd.f32 v14, v12  }
0x11a: {  	s1 =	sor.u32 s25, s29;
	v7 =	vadd.f32 v30, v7;
	v14 =	vld [tilespmem:s31+$0x0];
	v11 =	vadd.f32 v57, v11  }
0x11b: {  	v60 =	vld [tilespmem:s1+$0x0];
	s31 =	sor.u32 s26, s30;
	s30 =	sadd.s32 $0x10500, s21;
	v6 =	vadd.f32 v29, v6;
	v12 =	vadd.f32 v13, v12  }
0x11c: {  	v7 =	vadd.f32 v32, v7;
	s1 =	sor.u32 s25, s30;
	v13 =	vld [tilespmem:s31+$0x0];
	v11 =	vadd.f32 v58, v11  }
0x11d: {  	s31 =	sor.u32 s26, s29;
	s29 =	sadd.s32 $0x10580, s21;
	v61 =	vld [tilespmem:s1+$0x0];
	v6 =	vadd.f32 v31, v6;
	v12 =	vadd.f32 v15, v12  }
0x11e: {  	v7 =	vadd.f32 v34, v7;
	s1 =	sor.u32 s25, s29;
	v15 =	vld [tilespmem:s31+$0x0];
	v11 =	vadd.f32 v59, v11  }
0x11f: {  	s31 =	sor.u32 s26, s30;
	s30 =	sadd.s32 $0x10600, s21;
	v62 =	vld [tilespmem:s1+$0x0];
	v6 =	vadd.f32 v33, v6;
	v12 =	vadd.f32 v14, v12  }
0x120: {  	v7 =	vadd.f32 v36, v7;
	s1 =	sor.u32 s25, s30;
	v14 =	vld [tilespmem:s31+$0x0];
	v11 =	vadd.f32 v60, v11  }
0x121: {  	s31 =	sor.u32 s26, s29;
	s29 =	sadd.s32 $0x10680, s21;
	v63 =	vld [tilespmem:s1+$0x0];
	v6 =	vadd.f32 v35, v6;
	v12 =	vadd.f32 v13, v12  }
0x122: {  	v10 =	vadd.f32 v10, v7;
	v7 =	vld [tilespmem:s31+$0x0];
	s1 =	sor.u32 s25, s29;
	v11 =	vadd.f32 v61, v11  }
0x123: {  	s31 =	sor.u32 s26, s30;
	s30 =	sadd.s32 $0x10700, s21;
	v13 =	vmul.f32 v8, v6;
	v6 =	vld [tilespmem:s1+$0x0];
	v12 =	vadd.f32 v15, v12  }
0x124: {  	s22 =	simm.s32 $0x2;
	s23 =	sand.u32 $0x380, s23;
	v10 =	vmul.f32 v9, v10;
	v8 =	vld [tilespmem:s31+$0x0];
	s1 =	sor.u32 s25, s30;
	v11 =	vadd.f32 v62, v11  }
0x125: {  	s21 =	simm.s32 $0x11780;
	s31 =	sor.u32 s26, s29;
	s30 =	sor.u32 s26, s30;
	v9 =	vld [tilespmem:s1+$0x0];
	[tilespmem:s24+$0x11780] =	vst v13;
	v12 =	vadd.f32 v14, v12  }
0x126: {  	s29 =	sor.u32 s23, s25;
	s23 =	simm.s32 $0x200;
	[tilespmem:s21+$0x0] =	vst v10;
	v10 =	vld [tilespmem:s31+$0x0];
	s24 =	simm.s32 $0x40;
	v11 =	vadd.f32 v63, v11  }
.LBB2_9:
0x127: {  	s26 =	sand.u32 $0x60, s24;
	s28 =	sand.u32 $0x1C00, s23;
	v7 =	vadd.f32 v7, v12;
	v12 =	vld [tilespmem:s29+$0xED00];
	s20 =	sadd.s32 $0x20, s20  }
0x128: {  	s22 =	sadd.s32 $0x2, s22;
	s31 =	sadd.s32 $0xEF80, s28;
	s25 =	sor.u32 $0x10, s26;
	v13 =	vld [tilespmem:s30+$0x0];
	v6 =	vadd.f32 v6, v11  }
0x129: {  	p0 =	slt.u32 s22, $0x26;
	s30 =	sor.u32 s26, s31;
	s31 =	sor.u32 s25, s31;
	v7 =	vadd.f32 v8, v7;
	v8 =	vld [tilespmem:s20+$0x0]  }
0x12a: {  	v11 =	vld [tilespmem:s31+$0x0];
	v6 =	vadd.f32 v9, v6  }
0x12b: {  	v9 =	vld [tilespmem:s31+$0x80];
	v7 =	vadd.f32 v10, v7  }
0x12c: {  	v10 =	vld [tilespmem:s30+$0x0];
	v6 =	vmul.f32 v12, v6  }
0x12d: {  	v12 =	vld [tilespmem:s31+$0x100];
	v7 =	vadd.f32 v13, v7  }
0x12e: {  	v13 =	vld [tilespmem:s30+$0x80];
	[tilespmem:s29+$0x11780] =	vst v6  }
0x12f: {  	v6 =	vld [tilespmem:s31+$0x180];
	v7 =	vmul.f32 v8, v7  }
0x130: {  	s21 =	sadd.s32 $0x20, s21;
	v8 =	vld [tilespmem:s30+$0x100];
	v9 =	vadd.f32 v9, v11  }
0x131: {  	v11 =	vld [tilespmem:s31+$0x200];
	[tilespmem:s21+$0x0] =	vst v7  }
0x132: {  	v7 =	vld [tilespmem:s30+$0x180];
	v9 =	vadd.f32 v12, v9  }
0x133: {  	v10 =	vadd.f32 v13, v10;
	v12 =	vld [tilespmem:s31+$0x280]  }
0x134: {  	v13 =	vld [tilespmem:s30+$0x200];
	v6 =	vadd.f32 v6, v9  }
0x135: {  	v8 =	vadd.f32 v8, v10;
	v9 =	vld [tilespmem:s31+$0x300]  }
0x136: {  	v10 =	vld [tilespmem:s30+$0x280];
	v6 =	vadd.f32 v11, v6  }
0x137: {  	s29 =	sor.u32 $0x10380, s28;
	v7 =	vadd.f32 v7, v8;
	v8 =	vld [tilespmem:s31+$0x380]  }
0x138: {  	s31 =	sor.u32 s26, s29;
	s29 =	sor.u32 s25, s29;
	v11 =	vld [tilespmem:s30+$0x300];
	v6 =	vadd.f32 v12, v6  }
0x139: {  	s1 =	sadd.s32 $0x10400, s28;
	v7 =	vadd.f32 v13, v7;
	v12 =	vld [tilespmem:s29+$0x0]  }
0x13a: {  	s29 =	sor.u32 s26, s1;
	s1 =	sor.u32 s25, s1;
	v13 =	vld [tilespmem:s30+$0x380];
	v6 =	vadd.f32 v9, v6  }
0x13b: {  	s30 =	sadd.s32 $0x10480, s28;
	v7 =	vadd.f32 v10, v7;
	v9 =	vld [tilespmem:s1+$0x0]  }
0x13c: {  	s1 =	sor.u32 s26, s30;
	s30 =	sor.u32 s25, s30;
	v10 =	vld [tilespmem:s31+$0x0];
	v6 =	vadd.f32 v8, v6  }
0x13d: {  	s31 =	sadd.s32 $0x10500, s28;
	v7 =	vadd.f32 v11, v7;
	v8 =	vld [tilespmem:s30+$0x0]  }
0x13e: {  	s30 =	sor.u32 s25, s31;
	v11 =	vld [tilespmem:s29+$0x0];
	s29 =	sor.u32 s26, s31;
	v6 =	vadd.f32 v12, v6  }
0x13f: {  	s31 =	sadd.s32 $0x10580, s28;
	v7 =	vadd.f32 v13, v7;
	v12 =	vld [tilespmem:s30+$0x0]  }
0x140: {  	s30 =	sor.u32 s25, s31;
	v13 =	vld [tilespmem:s1+$0x0];
	s1 =	sor.u32 s26, s31;
	v6 =	vadd.f32 v9, v6  }
0x141: {  	s31 =	sadd.s32 $0x10600, s28;
	v7 =	vadd.f32 v10, v7;
	v9 =	vld [tilespmem:s30+$0x0]  }
0x142: {  	s30 =	sor.u32 s25, s31;
	v10 =	vld [tilespmem:s29+$0x0];
	s29 =	sor.u32 s26, s31;
	v6 =	vadd.f32 v8, v6  }
0x143: {  	s31 =	sadd.s32 $0x10680, s28;
	v8 =	vadd.f32 v11, v7;
	v11 =	vld [tilespmem:s30+$0x0]  }
.Ltmp4:
0x144: {  	s30 =	sor.u32 s25, s31;
	v7 =	vld [tilespmem:s1+$0x0];
	s1 =	sor.u32 s26, s31;
	v12 =	vadd.f32 v12, v6;
	(pc) =	sbr.rel @p0 .LBB2_9-.Ltmp4, $4  }
0x145: {  	s28 =	sadd.s32 $0x10700, s28;
	v13 =	vadd.f32 v13, v8;
	v6 =	vld [tilespmem:s30+$0x0]  }
0x146: {  	s30 =	sor.u32 s26, s28;
	s26 =	sor.u32 s25, s28;
	v8 =	vld [tilespmem:s29+$0x0];
	v14 =	vadd.f32 v9, v12  }
0x147: {  	v12 =	vadd.f32 v10, v13;
	v9 =	vld [tilespmem:s26+$0x0];
	s26 =	sand.u32 $0x380, s24  }
0x148: {  	s23 =	sadd.s32 $0x100, s23;
	s24 =	sadd.s32 $0x20, s24;
	v10 =	vld [tilespmem:s1+$0x0];
	v11 =	vadd.f32 v11, v14;
	s29 =	sor.u32 s26, s25  }
0x149: {  	v7 =	vadd.f32 v7, v12  }
0x14a: {  	v63 =	vld [tilespmem:s30+$0x0]  }
0x14b: {  	v13 =	vld [tilespmem:s29+$0xED00];
	s1 =	sadd.s32 $0x20, s20;
	v7 =	vadd.f32 v8, v7  }
0x14c: {  	v6 =	vadd.f32 v6, v11;
	v8 =	vld [tilespmem:s1+$0x0]  }
0x14d: {  	v7 =	vadd.f32 v10, v7  }
0x14e: {  	v6 =	vadd.f32 v9, v6  }
0x14f: {  	v7 =	vadd.f32 v63, v7  }
0x150: {  	v6 =	vmul.f32 v13, v6  }
0x151: {  	v7 =	vmul.f32 v8, v7  }
0x152: {  	s28 =	sadd.s32 $0x20, s21;
	[tilespmem:s29+$0x11780] =	vst v6  }
0x153: {  	s30 =	simm.s32 $0x2;
	s29 =	simm.s32 $0x11780;
	[tilespmem:s28+$0x0] =	vst v7  }
0x154: {  	[spmem:s5] =	stream.linear.scatter [tilespmem:s29], [sflag:$0x2], $0x280, $0x38;
	[tilespmem:$0x14480] =	vst v63  }
0x155: {  	_ =	swait.ge [sflag:s30], $0x280  }
0x156: {  	[sflag:s30] =	ssyncset.done $0x0  }
0x157: {  	[sflag:s30] =	ssyncadd.s32 $0xFFFFFD80  }
0x158: {  	s31 =	simm.s32 $0x0;
	s20 =	simm.s32 $0x2840;
	[bflag:$0x0] =	sbarrier.arrive $0xFFFF  }
0x159: {  	v6 =	vimm.f32 $0.0e+00;
	[tilespmem:s31], [sflag:$0x1] =	stream.linear.gather [spmem:s4], $0x2800, $0x38;
	[tilespmem:$0x14480] =	vst v63  }
0x15a: {  	[tilespmem:s20+$0xFFFFFFC0] =	vst v6  }
0x15b: {  	[tilespmem:s20+$0x30] =	vst v6  }
0x15c: {  	[tilespmem:s20+$0x20] =	vst v6  }
0x15d: {  	[tilespmem:s20+$0x10] =	vst v6  }
0x15e: {  	[tilespmem:s20+$0x0] =	vst v6  }
0x15f: {  	[tilespmem:s20+$0xFFFFFFF0] =	vst v6  }
0x160: {  	s21 =	simm.s32 $0x0;
	[tilespmem:s20+$0xFFFFFFE0] =	vst v6  }
.LBB2_11:
0x161: {  	s21 =	sadd.s32 $0x8, s21;
	[tilespmem:s20+$0xFFFFFFD0] =	vst v6;
	s20 =	sadd.s32 $0x80, s20  }
0x162: {  	[tilespmem:s20+$0xFFFFFFC0] =	vst v6;
	p0 =	slt.u32 s21, $0x278  }
0x163: {  	[tilespmem:s20+$0x30] =	vst v6  }
.Ltmp5:
0x164: {  	[tilespmem:s20+$0x20] =	vst v6;
	(pc) =	sbr.rel @p0 .LBB2_11-.Ltmp5, $4  }
0x165: {  	[tilespmem:s20+$0x10] =	vst v6  }
0x166: {  	[tilespmem:s20+$0x0] =	vst v6  }
0x167: {  	[tilespmem:s20+$0xFFFFFFF0] =	vst v6  }
0x168: {  	[tilespmem:s20+$0xFFFFFFE0] =	vst v6  }
0x169: {  	[tilespmem:s20+$0xFFFFFFD0] =	vst v6;
	s25 =	simm.s32 $0x1  }
0x16a: {  	_ =	swait.ge [sflag:s25], $0x2800  }
0x16b: {  	s10 =	sor.u32 s10, s13;
	[sflag:s25] =	ssyncset.done $0x0  }
0x16c: {  	s26 =	sadd.s32 $0x240, s10;
	s10 =	simm.s32 $0x5000;
	[sflag:s25] =	ssyncadd.s32 $0xFFFFD800  }
0x16d: {  	v14 =	vld.idx.msk [tilespmem:v0+s10+$0x80 ss:$0x1], $0xffff  }
0x16e: {  	v16 =	vld.idx.msk [tilespmem:v1+s10+$0xFFFFFF90 ss:$0x1], $0xffff  }
0x16f: {  	v18 =	vld.idx.msk [tilespmem:v2+s10+$0x80 ss:$0x1], $0xffff  }
0x170: {  	v20 =	vld.idx.msk [tilespmem:v1+s10+$0x80 ss:$0x1], $0xffff  }
0x171: {  	v27 =	vld.idx.msk [tilespmem:v1+s10+$0x90 ss:$0x1], $0xffff  }
0x172: {  	v28 =	vld.idx.msk [tilespmem:v3+s10+$0x80 ss:$0x1], $0xffff  }
0x173: {  	v25 =	vld.idx.msk [tilespmem:v1+s10+$0xFFFFFF80 ss:$0x1], $0xffff  }
0x174: {  	v29 =	vld.idx.msk [tilespmem:v1+s10+$0xFFFFFF00 ss:$0x1], $0xffff  }
0x175: {  	v31 =	vld.idx.msk [tilespmem:v4+s10+$0x80 ss:$0x1], $0xffff  }
0x176: {  	v32 =	vld.idx.msk [tilespmem:v5+s10+$0x0 ss:$0x1], $0xffff  }
0x177: {  	v33 =	vld.idx.msk [tilespmem:v3+s10+$0x0 ss:$0x1], $0xffff  }
0x178: {  	s1 =	sor.u32 s18, s19;
	s29 =	sshrl.u32 s14, $0x2;
	v35 =	vld.idx.msk [tilespmem:v2+s10+$0x0 ss:$0x1], $0xffff  }
0x179: {  	s11 =	sor.u32 s11, s12;
	s1 =	sadd.s32 $0x240, s1;
	v9 =	vmov s29;
	v36 =	vld.idx.msk [tilespmem:v1+s10+$0xFFFFFF10 ss:$0x1], $0xffff  }
0x17a: {  	s11 =	sadd.s32 $0x240, s11;
	s1 =	sshrl.u32 s1, $0x2;
	v38 =	vld.idx.msk [tilespmem:v0+s10+$0x0 ss:$0x1], $0xffff  }
0x17b: {  	s11 =	sshrl.u32 s11, $0x2;
	v6 =	vmov s1;
	v39 =	vld.idx.msk [tilespmem:v5+s10+$0xFFFFFF80 ss:$0x1], $0xffff  }
0x17c: {  	v7 =	vmov s11;
	v62 =	vld.idx.msk [tilespmem:v1+s10+$0x10 ss:$0x1], $0xffff  }
0x17d: {  	s28 =	sadd.s32 $0x240, s15;
	s1 =	sshrl.u32 s26, $0x2;
	v63 =	vld.idx.msk [tilespmem:v1+s10+$0x0 ss:$0x1], $0xffff  }
0x17e: {  	s31 =	sadd.s32 $0x240, s17;
	v8 =	vmov s1;
	s1 =	sshrl.u32 s28, $0x2;
	v26 =	vld.idx.msk [tilespmem:v9+s10+$0x80 ss:$0x1], $0xffff  }
0x17f: {  	s30 =	sadd.s32 $0x240, s16;
	v10 =	vmov s1;
	s1 =	sshrl.u32 s31, $0x2;
	v21 =	vld.idx.msk [tilespmem:v9+s10+$0x0 ss:$0x1], $0xffff  }
0x180: {  	s11 =	sshrl.u32 s30, $0x2;
	v12 =	vmov s1;
	v13 =	vld.idx.msk [tilespmem:v6+s10+$0x0 ss:$0x1], $0xffff  }
0x181: {  	v11 =	vmov s11;
	v15 =	vld.idx.msk [tilespmem:v7+s10+$0x0 ss:$0x1], $0xffff  }
0x182: {  	v19 =	vld.idx.msk [tilespmem:v6+s10+$0xFFFFFF80 ss:$0x1], $0xffff  }
0x183: {  	v34 =	vld.idx.msk [tilespmem:v7+s10+$0xFFFFFF80 ss:$0x1], $0xffff  }
0x184: {  	v17 =	vld.idx.msk [tilespmem:v8+s10+$0x0 ss:$0x1], $0xffff  }
0x185: {  	v30 =	vld.idx.msk [tilespmem:v12+s10+$0xFFFFFF80 ss:$0x1], $0xffff  }
0x186: {  	v22 =	vld.idx.msk [tilespmem:v11+s10+$0xFFFFFF80 ss:$0x1], $0xffff  }
0x187: {  	v37 =	vld.idx.msk [tilespmem:v11+s10+$0x0 ss:$0x1], $0xffff  }
0x188: {  	v40 =	vld.idx.msk [tilespmem:v8+s10+$0xFFFFFF80 ss:$0x1], $0xffff  }
0x189: {  	v24 =	vld.idx.msk [tilespmem:v10+s10+$0x0 ss:$0x1], $0xffff  }
0x18a: {  	s11 =	simm.s32 $0x0;
	v23 =	vld.idx.msk [tilespmem:v12+s10+$0x0 ss:$0x1], $0xffff  }
0x18b: {  	v29 =	vld.idx.msk [tilespmem:v29+s11+$0x0], $0xffff  }
0x18c: {  	v33 =	vld.idx.msk [tilespmem:v33+s11+$0x0], $0xffff  }
0x18d: {  	v30 =	vld.idx.msk [tilespmem:v30+s11+$0x0], $0xffff  }
0x18e: {  	v39 =	vld.idx.msk [tilespmem:v39+s11+$0x0], $0xffff  }
0x18f: {  	v42 =	vld.idx.msk [tilespmem:v21+s11+$0x0], $0xffff  }
0x190: {  	s12 =	simm.s32 $0x2800;
	v21 =	vld.idx.msk [tilespmem:v38+s11+$0x0], $0xffff  }
0x191: {  	[tilespmem:v25+s12+$0x0] =	vst.idx.add.f32.msk $0xffff, v29  }
0x192: {  	[tilespmem:v23+s12+$0x0] =	vst.idx.add.f32.msk $0xffff, v30  }
0x193: {  	v23 =	vld.idx.msk [tilespmem:v10+s10+$0xFFFFFF80 ss:$0x1], $0xffff  }
0x194: {  	v25 =	vld.idx.msk [tilespmem:v4+s10+$0x0 ss:$0x1], $0xffff  }
0x195: {  	v41 =	vld.idx.msk [tilespmem:v22+s11+$0x0], $0xffff  }
0x196: {  	v29 =	vld.idx.msk [tilespmem:v62+s11+$0x0], $0xffff  }
0x197: {  	[tilespmem:v32+s12+$0x0] =	vst.idx.add.f32.msk $0xffff, v39  }
0x198: {  	v22 =	vld.idx.msk [tilespmem:v63+s11+$0x0], $0xffff  }
0x199: {  	[tilespmem:v28+s12+$0x0] =	vst.idx.add.f32.msk $0xffff, v33  }
0x19a: {  	[tilespmem:v26+s12+$0x0] =	vst.idx.add.f32.msk $0xffff, v42  }
0x19b: {  	v43 =	vld.idx.msk [tilespmem:v23+s11+$0x0], $0xffff  }
0x19c: {  	v23 =	vld.idx.msk [tilespmem:v25+s11+$0x0], $0xffff  }
0x19d: {  	v26 =	vld.idx.msk [tilespmem:v36+s11+$0x0], $0xffff  }
0x19e: {  	[tilespmem:v37+s12+$0x0] =	vst.idx.add.f32.msk $0xffff, v41  }
0x19f: {  	[tilespmem:v27+s12+$0x0] =	vst.idx.add.f32.msk $0xffff, v29  }
0x1a0: {  	v25 =	vld.idx.msk [tilespmem:v35+s11+$0x0], $0xffff  }
0x1a1: {  	[tilespmem:v31+s12+$0x0] =	vst.idx.add.f32.msk $0xffff, v23  }
0x1a2: {  	v23 =	vld.idx.msk [tilespmem:v40+s11+$0x0], $0xffff  }
0x1a3: {  	[tilespmem:v24+s12+$0x0] =	vst.idx.add.f32.msk $0xffff, v43  }
0x1a4: {  	s13 =	simm.s32 $0x0;
	v24 =	vld.idx.msk [tilespmem:v34+s11+$0x0], $0xffff  }
.LBB2_13:
0x1a5: {  	s13 =	sadd.s32 $0x10, s13;
	[tilespmem:v20+s12+$0x0] =	vst.idx.add.f32.msk $0xffff, v22;
	s10 =	sadd.s32 $0x200, s10  }
0x1a6: {  	p0 =	slt.u32 s13, $0x4D0;
	v19 =	vld.idx.msk [tilespmem:v19+s11+$0x0], $0xffff  }
0x1a7: {  	[tilespmem:v18+s12+$0x0] =	vst.idx.add.f32.msk $0xffff, v25  }
0x1a8: {  	[tilespmem:v17+s12+$0x0] =	vst.idx.add.f32.msk $0xffff, v23  }
0x1a9: {  	[tilespmem:v16+s12+$0x0] =	vst.idx.add.f32.msk $0xffff, v26  }
0x1aa: {  	[tilespmem:v15+s12+$0x0] =	vst.idx.add.f32.msk $0xffff, v24  }
0x1ab: {  	[tilespmem:v14+s12+$0x0] =	vst.idx.add.f32.msk $0xffff, v21  }
0x1ac: {  	[tilespmem:v13+s12+$0x0] =	vst.idx.add.f32.msk $0xffff, v19  }
0x1ad: {  	v14 =	vld.idx.msk [tilespmem:v0+s10+$0x80 ss:$0x1], $0xffff  }
0x1ae: {  	v13 =	vld.idx.msk [tilespmem:v6+s10+$0x0 ss:$0x1], $0xffff  }
0x1af: {  	v15 =	vld.idx.msk [tilespmem:v7+s10+$0x0 ss:$0x1], $0xffff  }
0x1b0: {  	v16 =	vld.idx.msk [tilespmem:v1+s10+$0xFFFFFF90 ss:$0x1], $0xffff  }
0x1b1: {  	v17 =	vld.idx.msk [tilespmem:v8+s10+$0x0 ss:$0x1], $0xffff  }
0x1b2: {  	v18 =	vld.idx.msk [tilespmem:v2+s10+$0x80 ss:$0x1], $0xffff  }
0x1b3: {  	v19 =	vld.idx.msk [tilespmem:v6+s10+$0xFFFFFF80 ss:$0x1], $0xffff  }
0x1b4: {  	v20 =	vld.idx.msk [tilespmem:v1+s10+$0x80 ss:$0x1], $0xffff  }
0x1b5: {  	v27 =	vld.idx.msk [tilespmem:v1+s10+$0x90 ss:$0x1], $0xffff  }
0x1b6: {  	v28 =	vld.idx.msk [tilespmem:v3+s10+$0x80 ss:$0x1], $0xffff  }
0x1b7: {  	v26 =	vld.idx.msk [tilespmem:v9+s10+$0x80 ss:$0x1], $0xffff  }
0x1b8: {  	v24 =	vld.idx.msk [tilespmem:v10+s10+$0x0 ss:$0x1], $0xffff  }
0x1b9: {  	v21 =	vld.idx.msk [tilespmem:v9+s10+$0x0 ss:$0x1], $0xffff  }
0x1ba: {  	v22 =	vld.idx.msk [tilespmem:v11+s10+$0xFFFFFF80 ss:$0x1], $0xffff  }
0x1bb: {  	v23 =	vld.idx.msk [tilespmem:v12+s10+$0x0 ss:$0x1], $0xffff  }
0x1bc: {  	v25 =	vld.idx.msk [tilespmem:v1+s10+$0xFFFFFF80 ss:$0x1], $0xffff  }
0x1bd: {  	v29 =	vld.idx.msk [tilespmem:v1+s10+$0xFFFFFF00 ss:$0x1], $0xffff  }
0x1be: {  	v30 =	vld.idx.msk [tilespmem:v12+s10+$0xFFFFFF80 ss:$0x1], $0xffff  }
0x1bf: {  	v31 =	vld.idx.msk [tilespmem:v4+s10+$0x80 ss:$0x1], $0xffff  }
0x1c0: {  	v32 =	vld.idx.msk [tilespmem:v5+s10+$0x0 ss:$0x1], $0xffff  }
0x1c1: {  	v33 =	vld.idx.msk [tilespmem:v3+s10+$0x0 ss:$0x1], $0xffff  }
0x1c2: {  	v34 =	vld.idx.msk [tilespmem:v7+s10+$0xFFFFFF80 ss:$0x1], $0xffff  }
0x1c3: {  	v35 =	vld.idx.msk [tilespmem:v2+s10+$0x0 ss:$0x1], $0xffff  }
0x1c4: {  	v36 =	vld.idx.msk [tilespmem:v1+s10+$0xFFFFFF10 ss:$0x1], $0xffff  }
0x1c5: {  	v29 =	vld.idx.msk [tilespmem:v29+s11+$0x0], $0xffff  }
0x1c6: {  	v30 =	vld.idx.msk [tilespmem:v30+s11+$0x0], $0xffff  }
0x1c7: {  	v37 =	vld.idx.msk [tilespmem:v11+s10+$0x0 ss:$0x1], $0xffff  }
0x1c8: {  	v38 =	vld.idx.msk [tilespmem:v0+s10+$0x0 ss:$0x1], $0xffff  }
0x1c9: {  	v33 =	vld.idx.msk [tilespmem:v33+s11+$0x0], $0xffff  }
0x1ca: {  	v39 =	vld.idx.msk [tilespmem:v5+s10+$0xFFFFFF80 ss:$0x1], $0xffff  }
0x1cb: {  	[tilespmem:v25+s12+$0x0] =	vst.idx.add.f32.msk $0xffff, v29  }
0x1cc: {  	[tilespmem:v23+s12+$0x0] =	vst.idx.add.f32.msk $0xffff, v30  }
0x1cd: {  	v23 =	vld.idx.msk [tilespmem:v10+s10+$0xFFFFFF80 ss:$0x1], $0xffff  }
0x1ce: {  	v25 =	vld.idx.msk [tilespmem:v4+s10+$0x0 ss:$0x1], $0xffff  }
0x1cf: {  	v29 =	vld.idx.msk [tilespmem:v1+s10+$0x10 ss:$0x1], $0xffff  }
0x1d0: {  	v30 =	vld.idx.msk [tilespmem:v1+s10+$0x0 ss:$0x1], $0xffff  }
0x1d1: {  	v40 =	vld.idx.msk [tilespmem:v8+s10+$0xFFFFFF80 ss:$0x1], $0xffff  }
0x1d2: {  	v39 =	vld.idx.msk [tilespmem:v39+s11+$0x0], $0xffff  }
0x1d3: {  	v41 =	vld.idx.msk [tilespmem:v22+s11+$0x0], $0xffff  }
0x1d4: {  	v42 =	vld.idx.msk [tilespmem:v21+s11+$0x0], $0xffff  }
0x1d5: {  	v43 =	vld.idx.msk [tilespmem:v23+s11+$0x0], $0xffff  }
0x1d6: {  	v23 =	vld.idx.msk [tilespmem:v25+s11+$0x0], $0xffff  }
0x1d7: {  	v29 =	vld.idx.msk [tilespmem:v29+s11+$0x0], $0xffff  }
0x1d8: {  	[tilespmem:v32+s12+$0x0] =	vst.idx.add.f32.msk $0xffff, v39  }
0x1d9: {  	v22 =	vld.idx.msk [tilespmem:v30+s11+$0x0], $0xffff  }
0x1da: {  	[tilespmem:v37+s12+$0x0] =	vst.idx.add.f32.msk $0xffff, v41  }
0x1db: {  	v21 =	vld.idx.msk [tilespmem:v38+s11+$0x0], $0xffff  }
0x1dc: {  	[tilespmem:v31+s12+$0x0] =	vst.idx.add.f32.msk $0xffff, v23  }
0x1dd: {  	v23 =	vld.idx.msk [tilespmem:v40+s11+$0x0], $0xffff  }
0x1de: {  	[tilespmem:v24+s12+$0x0] =	vst.idx.add.f32.msk $0xffff, v43  }
0x1df: {  	v24 =	vld.idx.msk [tilespmem:v34+s11+$0x0], $0xffff  }
.Ltmp6:
0x1e0: {  	v25 =	vld.idx.msk [tilespmem:v35+s11+$0x0], $0xffff;
	(pc) =	sbr.rel @p0 .LBB2_13-.Ltmp6, $4  }
0x1e1: {  	[tilespmem:v26+s12+$0x0] =	vst.idx.add.f32.msk $0xffff, v42  }
0x1e2: {  	v26 =	vld.idx.msk [tilespmem:v36+s11+$0x0], $0xffff  }
0x1e3: {  	[tilespmem:v28+s12+$0x0] =	vst.idx.add.f32.msk $0xffff, v33  }
0x1e4: {  	[tilespmem:v27+s12+$0x0] =	vst.idx.add.f32.msk $0xffff, v29  }
0x1e5: {  	_ =	sdelay $0x3  }
0x1e6: {  	[tilespmem:v20+s12+$0x0] =	vst.idx.add.f32.msk $0xffff, v22  }
0x1e7: {  	v19 =	vld.idx.msk [tilespmem:v19+s11+$0x0], $0xffff  }
0x1e8: {  	[tilespmem:v18+s12+$0x0] =	vst.idx.add.f32.msk $0xffff, v25  }
0x1e9: {  	[tilespmem:v17+s12+$0x0] =	vst.idx.add.f32.msk $0xffff, v23  }
0x1ea: {  	[tilespmem:v15+s12+$0x0] =	vst.idx.add.f32.msk $0xffff, v24  }
0x1eb: {  	[tilespmem:v14+s12+$0x0] =	vst.idx.add.f32.msk $0xffff, v21  }
0x1ec: {  	s10 =	sor.u32 $0x9C00, s7;
	[tilespmem:v16+s12+$0x0] =	vst.idx.add.f32.msk $0xffff, v26  }
0x1ed: {  	s11 =	simm.s32 $0x0;
	s13 =	simm.s32 $0x0;
	[tilespmem:v13+s12+$0x0] =	vst.idx.add.f32.msk $0xffff, v19;
	s12 =	simm.s32 $0x2800  }
.LBB2_15:
0x1ee: {  	s1 =	sand.u32 $0x3FFFFF00, s10  }
0x1ef: {  	s14 =	sshra.s32 s13, $0x2;
	s1 =	sadd.s32 s1, s6  }
0x1f0: {  	s1 =	sadd.s32 s14, s1  }
0x1f1: {  	v13 =	vld [tilespmem:s1+$0x0];
	_ =	sdelay $0x4  }
0x1f2: {  	v14 =	vld [tilespmem:s1+$0x80];
	_ =	sdelay $0x2  }
0x1f3: {  	p0 =	sne.s32 s13, $0x40;
	v13 =	vld.idx.msk [tilespmem:v13+s11+$0x0], $0xffff  }
.Ltmp7:
0x1f4: {  	_ = 	snop;
	(pc) =	sbr.rel @p0 .LBB2_15-.Ltmp7, $2  }
0x1f5: {  	_ =	sdelay $0x2  }
0x1f6: {  	s10 =	sadd.s32 $0x20, s10;
	s13 =	sadd.s32 $0x40, s13;
	[tilespmem:v14+s12+$0x0] =	vst.idx.add.f32.msk $0xffff, v13  }
0x1f7: {  	s1 =	simm.s32 $0x80  }
0x1f8: {  	s10 =	simm.s32 $0x400;
	s11 =	simm.s32 $0x2800;
	s26 =	simm.s32 $0x2  }
0x1f9: {  	[spmem:s8] =	stream.strided.scatter [tilespmem:s11], [sflag:$0x2], $0x2800, s10, s1, $0x38;
	[tilespmem:$0x14480] =	vst v63  }
0x1fa: {  	_ =	swait.ge [sflag:s26], $0x2800  }
0x1fb: {  	[sflag:s26] =	ssyncset.done $0x0  }
0x1fc: {  	s28 =	simm.s32 $0x1400;
	s29 =	simm.s32 $0x14000;
	[sflag:s26] =	ssyncadd.s32 $0xFFFFD800  }
0x1fd: {  	s12 =	simm.s32 $0xEF80;
	s11 =	simm.s32 $0x0;
	[bflag:$0x0] =	sbarrier.arrive $0xFFFF  }
0x1fe: {  	[tilespmem:s12], [sflag:$0x2] =	stream.strided.gather [spmem:s9], $0x2800, s29, s28, $0x38;
	[tilespmem:$0x14480] =	vst v63  }
0x1ff: {  	s10 =	sand.u32 $0x60, s11;
	s12 =	sand.u32 $0x1C00, s11;
	_ =	swait.ge [sflag:s26], $0x2800  }
0x200: {  	s14 =	sor.u32 $0x10, s10;
	s13 =	sadd.s32 $0xEF80, s12;
	[sflag:s26] =	ssyncset.done $0x0  }
0x201: {  	s30 =	sor.u32 s14, s13;
	[sflag:s26] =	ssyncadd.s32 $0xFFFFD800  }
0x202: {  	v13 =	vld [tilespmem:s30+$0x0]  }
0x203: {  	s13 =	sor.u32 s10, s13;
	v14 =	vld [tilespmem:s30+$0x80]  }
0x204: {  	v15 =	vld [tilespmem:s13+$0x0]  }
0x205: {  	v16 =	vld [tilespmem:s30+$0x100]  }
0x206: {  	v17 =	vld [tilespmem:s13+$0x80]  }
0x207: {  	v18 =	vld [tilespmem:s30+$0x180]  }
0x208: {  	v19 =	vld [tilespmem:s13+$0x100]  }
0x209: {  	v20 =	vld [tilespmem:s30+$0x200]  }
0x20a: {  	v21 =	vld [tilespmem:s13+$0x180]  }
0x20b: {  	v22 =	vld [tilespmem:s30+$0x280]  }
0x20c: {  	v23 =	vld [tilespmem:s13+$0x200]  }
0x20d: {  	v24 =	vld [tilespmem:s30+$0x300]  }
0x20e: {  	v25 =	vld [tilespmem:s13+$0x280]  }
0x20f: {  	s15 =	sor.u32 $0x10380, s12;
	v26 =	vld [tilespmem:s30+$0x380]  }
0x210: {  	s31 =	sor.u32 s14, s15;
	v27 =	vld [tilespmem:s13+$0x300]  }
0x211: {  	v28 =	vld [tilespmem:s31+$0x0]  }
0x212: {  	s18 =	sadd.s32 $0x10480, s12;
	s17 =	sor.u32 s10, s15;
	v29 =	vld [tilespmem:s13+$0x380]  }
0x213: {  	s16 =	sadd.s32 $0x10400, s12;
	s19 =	sor.u32 s14, s18;
	v31 =	vld [tilespmem:s17+$0x0]  }
0x214: {  	s21 =	sadd.s32 $0x10500, s12;
	s20 =	sor.u32 s10, s16;
	v32 =	vld [tilespmem:s19+$0x0]  }
0x215: {  	s22 =	sor.u32 s14, s21;
	v33 =	vld [tilespmem:s20+$0x0]  }
0x216: {  	s24 =	sadd.s32 $0x10580, s12;
	s23 =	sor.u32 s10, s18;
	v34 =	vld [tilespmem:s22+$0x0]  }
0x217: {  	s25 =	sor.u32 s14, s24;
	v35 =	vld [tilespmem:s23+$0x0]  }
0x218: {  	s28 =	sadd.s32 $0x10600, s12;
	s26 =	sor.u32 s10, s21;
	v36 =	vld [tilespmem:s25+$0x0]  }
0x219: {  	s29 =	sor.u32 s14, s28;
	v37 =	vld [tilespmem:s26+$0x0]  }
0x21a: {  	s18 =	sor.u32 s10, s28;
	v38 =	vld [tilespmem:s29+$0x0]  }
0x21b: {  	s13 =	sor.u32 s14, s16;
	v41 =	vld [tilespmem:s18+$0x0]  }
0x21c: {  	s21 =	sand.u32 $0x380, s11;
	s30 =	sor.u32 s10, s24;
	s31 =	sadd.s32 $0x10680, s12;
	v30 =	vld [tilespmem:s13+$0x0]  }
0x21d: {  	s12 =	sadd.s32 $0x10700, s12;
	s22 =	simm.s32 $0x100;
	v39 =	vld [tilespmem:s30+$0x0];
	s17 =	sor.u32 s14, s31  }
0x21e: {  	s19 =	sor.u32 s14, s12;
	s13 =	simm.s32 $0x20;
	s11 =	sand.u32 $0x1C00, s22;
	v40 =	vld [tilespmem:s17+$0x0]  }
0x21f: {  	s20 =	sor.u32 s10, s31;
	v42 =	vld [tilespmem:s19+$0x0];
	s16 =	sand.u32 $0x60, s13;
	s17 =	sor.u32 $0x10380, s11  }
0x220: {  	v43 =	vld [tilespmem:s20+$0x0];
	s28 =	sadd.s32 $0x10480, s11;
	s26 =	sor.u32 s16, s17  }
0x221: {  	s19 =	sor.u32 s16, s28;
	v57 =	vld [tilespmem:s26+$0x0];
	v13 =	vadd.f32 v14, v13  }
0x222: {  	s14 =	sor.u32 s21, s14;
	s1 =	sadd.s32 $0xEF80, s11;
	s15 =	sor.u32 $0x10, s16;
	v60 =	vld [tilespmem:s19+$0x0];
	v14 =	vadd.f32 v17, v15  }
0x223: {  	s23 =	sor.u32 s15, s1;
	v15 =	vld [tilespmem:s14+$0xED00];
	v13 =	vadd.f32 v16, v13  }
0x224: {  	v14 =	vadd.f32 v19, v14;
	v19 =	vld [tilespmem:s23+$0x0]  }
0x225: {  	s1 =	sor.u32 s16, s1;
	v13 =	vadd.f32 v18, v13;
	v18 =	vld [tilespmem:s23+$0x80]  }
0x226: {  	v45 =	vld [tilespmem:s1+$0x0];
	v14 =	vadd.f32 v21, v14  }
0x227: {  	v13 =	vadd.f32 v20, v13;
	v20 =	vld [tilespmem:s23+$0x100]  }
0x228: {  	v46 =	vld [tilespmem:s1+$0x80];
	v14 =	vadd.f32 v23, v14  }
0x229: {  	v47 =	vld [tilespmem:s23+$0x180];
	v13 =	vadd.f32 v22, v13  }
0x22a: {  	v14 =	vadd.f32 v25, v14;
	v18 =	vadd.f32 v18, v19;
	v19 =	vld [tilespmem:s1+$0x100]  }
0x22b: {  	v48 =	vld [tilespmem:s23+$0x200];
	v13 =	vadd.f32 v24, v13  }
0x22c: {  	v14 =	vadd.f32 v27, v14;
	v18 =	vadd.f32 v20, v18;
	v20 =	vld [tilespmem:s1+$0x180]  }
0x22d: {  	v49 =	vld [tilespmem:s23+$0x280];
	v21 =	vadd.f32 v46, v45;
	v13 =	vadd.f32 v26, v13  }
0x22e: {  	v50 =	vld [tilespmem:s1+$0x200];
	v14 =	vadd.f32 v29, v14;
	v18 =	vadd.f32 v47, v18  }
0x22f: {  	v51 =	vld [tilespmem:s23+$0x300];
	v13 =	vadd.f32 v28, v13;
	v19 =	vadd.f32 v19, v21  }
0x230: {  	v52 =	vld [tilespmem:s1+$0x280];
	v14 =	vadd.f32 v31, v14;
	v18 =	vadd.f32 v48, v18  }
0x231: {  	v53 =	vld [tilespmem:s23+$0x380];
	v13 =	vadd.f32 v30, v13;
	v19 =	vadd.f32 v20, v19  }
0x232: {  	s24 =	sor.u32 s15, s17;
	v14 =	vadd.f32 v33, v14;
	v20 =	vld [tilespmem:s1+$0x300];
	v18 =	vadd.f32 v49, v18  }
0x233: {  	s18 =	sadd.s32 $0x10400, s11;
	v54 =	vld [tilespmem:s24+$0x0];
	v13 =	vadd.f32 v32, v13;
	v19 =	vadd.f32 v50, v19  }
0x234: {  	s25 =	sor.u32 s15, s18;
	v55 =	vld [tilespmem:s1+$0x380];
	v14 =	vadd.f32 v35, v14;
	v18 =	vadd.f32 v51, v18  }
0x235: {  	s12 =	sor.u32 s10, s12;
	v56 =	vld [tilespmem:s25+$0x0];
	v13 =	vadd.f32 v34, v13;
	v19 =	vadd.f32 v52, v19  }
0x236: {  	s29 =	sor.u32 s15, s28;
	v17 =	vld [tilespmem:s12+$0x0];
	v14 =	vadd.f32 v37, v14;
	v18 =	vadd.f32 v53, v18  }
0x237: {  	s31 =	sadd.s32 $0x10500, s11;
	s30 =	sor.u32 s16, s18;
	v58 =	vld [tilespmem:s29+$0x0];
	v13 =	vadd.f32 v36, v13;
	v19 =	vadd.f32 v20, v19  }
0x238: {  	s20 =	sadd.s32 $0x10580, s11;
	s12 =	sor.u32 s15, s31;
	v14 =	vadd.f32 v39, v14;
	v20 =	vld [tilespmem:s30+$0x0];
	v18 =	vadd.f32 v54, v18  }
0x239: {  	s21 =	sor.u32 s15, s20;
	v59 =	vld [tilespmem:s12+$0x0];
	v13 =	vadd.f32 v38, v13;
	v19 =	vadd.f32 v55, v19  }
0x23a: {  	s10 =	simm.s32 $0xED00;
	v61 =	vld [tilespmem:s21+$0x0];
	v14 =	vadd.f32 v41, v14;
	v18 =	vadd.f32 v56, v18  }
0x23b: {  	s22 =	sor.u32 s16, s31;
	v16 =	vld [tilespmem:s10+$0x0];
	s23 =	sadd.s32 $0x10600, s11;
	v13 =	vadd.f32 v40, v13;
	v19 =	vadd.f32 v57, v19  }
0x23c: {  	v62 =	vld [tilespmem:s22+$0x0];
	s24 =	sor.u32 s15, s23;
	v14 =	vadd.f32 v43, v14;
	v18 =	vadd.f32 v58, v18  }
0x23d: {  	s26 =	sadd.s32 $0x10680, s11;
	s25 =	sor.u32 s16, s20;
	v63 =	vld [tilespmem:s24+$0x0];
	v13 =	vadd.f32 v42, v13;
	v19 =	vadd.f32 v20, v19  }
0x23e: {  	s28 =	sor.u32 s15, s26;
	v17 =	vadd.f32 v17, v14;
	v14 =	vld [tilespmem:s25+$0x0];
	v18 =	vadd.f32 v59, v18  }
0x23f: {  	s19 =	sadd.s32 $0x10700, s11;
	s18 =	sor.u32 s16, s23;
	v20 =	vmul.f32 v15, v13;
	v13 =	vld [tilespmem:s28+$0x0];
	v19 =	vadd.f32 v60, v19  }
0x240: {  	s29 =	sor.u32 s15, s19;
	s19 =	sor.u32 s16, s19;
	s31 =	sand.u32 $0x380, s13;
	v17 =	vmul.f32 v16, v17;
	v15 =	vld [tilespmem:s18+$0x0];
	v18 =	vadd.f32 v61, v18  }
0x241: {  	s13 =	simm.s32 $0x200;
	s11 =	simm.s32 $0x11780;
	s30 =	sor.u32 s16, s26;
	v16 =	vld [tilespmem:s29+$0x0];
	[tilespmem:s14+$0x11780] =	vst v20;
	v19 =	vadd.f32 v62, v19  }
0x242: {  	s12 =	simm.s32 $0x2;
	s18 =	sor.u32 s31, s15;
	[tilespmem:s11+$0x0] =	vst v17;
	v17 =	vld [tilespmem:s30+$0x0];
	s14 =	simm.s32 $0x40;
	v18 =	vadd.f32 v63, v18  }
.LBB2_17:
0x243: {  	s16 =	sand.u32 $0x60, s14;
	s17 =	sand.u32 $0x1C00, s13;
	v14 =	vadd.f32 v14, v19;
	v19 =	vld [tilespmem:s18+$0xED00];
	s10 =	sadd.s32 $0x20, s10  }
0x244: {  	s12 =	sadd.s32 $0x2, s12;
	s1 =	sadd.s32 $0xEF80, s17;
	s15 =	sor.u32 $0x10, s16;
	v20 =	vld [tilespmem:s19+$0x0];
	v13 =	vadd.f32 v13, v18  }
0x245: {  	p0 =	slt.u32 s12, $0x26;
	s19 =	sor.u32 s16, s1;
	s1 =	sor.u32 s15, s1;
	v14 =	vadd.f32 v15, v14;
	v15 =	vld [tilespmem:s10+$0x0]  }
0x246: {  	v18 =	vld [tilespmem:s1+$0x0];
	v13 =	vadd.f32 v16, v13  }
0x247: {  	v16 =	vld [tilespmem:s1+$0x80];
	v14 =	vadd.f32 v17, v14  }
0x248: {  	v17 =	vld [tilespmem:s19+$0x0];
	v13 =	vmul.f32 v19, v13  }
0x249: {  	v19 =	vld [tilespmem:s1+$0x100];
	v14 =	vadd.f32 v20, v14  }
0x24a: {  	v20 =	vld [tilespmem:s19+$0x80];
	[tilespmem:s18+$0x11780] =	vst v13  }
0x24b: {  	v13 =	vld [tilespmem:s1+$0x180];
	v14 =	vmul.f32 v15, v14  }
0x24c: {  	s11 =	sadd.s32 $0x20, s11;
	v15 =	vld [tilespmem:s19+$0x100];
	v16 =	vadd.f32 v16, v18  }
0x24d: {  	v18 =	vld [tilespmem:s1+$0x200];
	[tilespmem:s11+$0x0] =	vst v14  }
0x24e: {  	v14 =	vld [tilespmem:s19+$0x180];
	v16 =	vadd.f32 v19, v16  }
0x24f: {  	v17 =	vadd.f32 v20, v17;
	v19 =	vld [tilespmem:s1+$0x280]  }
0x250: {  	v20 =	vld [tilespmem:s19+$0x200];
	v13 =	vadd.f32 v13, v16  }
0x251: {  	v15 =	vadd.f32 v15, v17;
	v16 =	vld [tilespmem:s1+$0x300]  }
0x252: {  	v17 =	vld [tilespmem:s19+$0x280];
	v13 =	vadd.f32 v18, v13  }
0x253: {  	s18 =	sor.u32 $0x10380, s17;
	v14 =	vadd.f32 v14, v15;
	v15 =	vld [tilespmem:s1+$0x380]  }
0x254: {  	s1 =	sor.u32 s16, s18;
	s18 =	sor.u32 s15, s18;
	v18 =	vld [tilespmem:s19+$0x300];
	v13 =	vadd.f32 v19, v13  }
0x255: {  	s20 =	sadd.s32 $0x10400, s17;
	v14 =	vadd.f32 v20, v14;
	v19 =	vld [tilespmem:s18+$0x0]  }
0x256: {  	s18 =	sor.u32 s16, s20;
	v20 =	vld [tilespmem:s19+$0x380];
	v13 =	vadd.f32 v16, v13;
	s19 =	sor.u32 s15, s20  }
0x257: {  	s20 =	sadd.s32 $0x10480, s17;
	v14 =	vadd.f32 v17, v14;
	v16 =	vld [tilespmem:s19+$0x0]  }
0x258: {  	s19 =	sor.u32 s15, s20;
	v17 =	vld [tilespmem:s1+$0x0];
	s1 =	sor.u32 s16, s20;
	v13 =	vadd.f32 v15, v13  }
0x259: {  	s20 =	sadd.s32 $0x10500, s17;
	v14 =	vadd.f32 v18, v14;
	v15 =	vld [tilespmem:s19+$0x0]  }
0x25a: {  	s19 =	sor.u32 s15, s20;
	v18 =	vld [tilespmem:s18+$0x0];
	s18 =	sor.u32 s16, s20;
	v13 =	vadd.f32 v19, v13  }
0x25b: {  	s20 =	sadd.s32 $0x10580, s17;
	v14 =	vadd.f32 v20, v14;
	v19 =	vld [tilespmem:s19+$0x0]  }
0x25c: {  	s19 =	sor.u32 s15, s20;
	v20 =	vld [tilespmem:s1+$0x0];
	s1 =	sor.u32 s16, s20;
	v13 =	vadd.f32 v16, v13  }
0x25d: {  	s20 =	sadd.s32 $0x10600, s17;
	v14 =	vadd.f32 v17, v14;
	v16 =	vld [tilespmem:s19+$0x0]  }
0x25e: {  	s19 =	sor.u32 s15, s20;
	v17 =	vld [tilespmem:s18+$0x0];
	s18 =	sor.u32 s16, s20;
	v13 =	vadd.f32 v15, v13  }
0x25f: {  	s20 =	sadd.s32 $0x10680, s17;
	v15 =	vadd.f32 v18, v14;
	v18 =	vld [tilespmem:s19+$0x0]  }
.Ltmp8:
0x260: {  	s19 =	sor.u32 s15, s20;
	v14 =	vld [tilespmem:s1+$0x0];
	s1 =	sor.u32 s16, s20;
	v19 =	vadd.f32 v19, v13;
	(pc) =	sbr.rel @p0 .LBB2_17-.Ltmp8, $4  }
0x261: {  	s17 =	sadd.s32 $0x10700, s17;
	v20 =	vadd.f32 v20, v15;
	v13 =	vld [tilespmem:s19+$0x0]  }
0x262: {  	s19 =	sor.u32 s16, s17;
	s16 =	sor.u32 s15, s17;
	v15 =	vld [tilespmem:s18+$0x0];
	v21 =	vadd.f32 v16, v19  }
0x263: {  	v19 =	vadd.f32 v17, v20;
	v16 =	vld [tilespmem:s16+$0x0];
	s16 =	sand.u32 $0x380, s14  }
0x264: {  	s13 =	sadd.s32 $0x100, s13;
	s14 =	sadd.s32 $0x20, s14;
	v17 =	vld [tilespmem:s1+$0x0];
	v18 =	vadd.f32 v18, v21;
	s18 =	sor.u32 s16, s15  }
0x265: {  	v14 =	vadd.f32 v14, v19  }
0x266: {  	v63 =	vld [tilespmem:s19+$0x0]  }
0x267: {  	v20 =	vld [tilespmem:s18+$0xED00];
	s1 =	sadd.s32 $0x20, s10;
	v14 =	vadd.f32 v15, v14  }
0x268: {  	v13 =	vadd.f32 v13, v18;
	v15 =	vld [tilespmem:s1+$0x0]  }
0x269: {  	v14 =	vadd.f32 v17, v14  }
0x26a: {  	v13 =	vadd.f32 v16, v13  }
0x26b: {  	v14 =	vadd.f32 v63, v14  }
0x26c: {  	v13 =	vmul.f32 v20, v13  }
0x26d: {  	v14 =	vmul.f32 v15, v14  }
0x26e: {  	s28 =	sadd.s32 $0x20, s11;
	[tilespmem:s18+$0x11780] =	vst v13  }
0x26f: {  	s29 =	simm.s32 $0x11780;
	s30 =	simm.s32 $0x2;
	[tilespmem:s28+$0x0] =	vst v14  }
0x270: {  	[spmem:s5] =	stream.linear.scatter [tilespmem:s29], [sflag:$0x2], $0x280, $0x38;
	[tilespmem:$0x14480] =	vst v63  }
0x271: {  	_ =	swait.ge [sflag:s30], $0x280  }
0x272: {  	[sflag:s30] =	ssyncset.done $0x0  }
0x273: {  	[sflag:s30] =	ssyncadd.s32 $0xFFFFFD80  }
0x274: {  	s31 =	simm.s32 $0x0;
	[bflag:$0x0] =	sbarrier.arrive $0xFFFF  }
0x275: {  	[tilespmem:s31], [sflag:$0x1] =	stream.linear.gather [spmem:s4], $0x2800, $0x38;
	[tilespmem:$0x14480] =	vst v63  }
0x276: {  	v13 =	vimm.f32 $0.0e+00;
	s4 =	simm.s32 $0x2840  }
0x277: {  	[tilespmem:s4+$0xFFFFFFC0] =	vst v13  }
0x278: {  	[tilespmem:s4+$0x30] =	vst v13  }
0x279: {  	[tilespmem:s4+$0x20] =	vst v13  }
0x27a: {  	[tilespmem:s4+$0x10] =	vst v13  }
0x27b: {  	[tilespmem:s4+$0x0] =	vst v13  }
0x27c: {  	[tilespmem:s4+$0xFFFFFFF0] =	vst v13  }
0x27d: {  	s5 =	simm.s32 $0x0;
	[tilespmem:s4+$0xFFFFFFE0] =	vst v13  }
.LBB2_19:
0x27e: {  	s5 =	sadd.s32 $0x8, s5;
	[tilespmem:s4+$0xFFFFFFD0] =	vst v13;
	s4 =	sadd.s32 $0x80, s4  }
0x27f: {  	[tilespmem:s4+$0xFFFFFFC0] =	vst v13;
	p0 =	slt.u32 s5, $0x278  }
0x280: {  	[tilespmem:s4+$0x30] =	vst v13  }
.Ltmp9:
0x281: {  	[tilespmem:s4+$0x20] =	vst v13;
	(pc) =	sbr.rel @p0 .LBB2_19-.Ltmp9, $4  }
0x282: {  	[tilespmem:s4+$0x10] =	vst v13  }
0x283: {  	[tilespmem:s4+$0x0] =	vst v13  }
0x284: {  	[tilespmem:s4+$0xFFFFFFF0] =	vst v13  }
0x285: {  	[tilespmem:s4+$0xFFFFFFE0] =	vst v13  }
0x286: {  	[tilespmem:s4+$0xFFFFFFD0] =	vst v13;
	s1 =	simm.s32 $0x1  }
0x287: {  	_ =	swait.ge [sflag:s1], $0x2800  }
0x288: {  	[sflag:s1] =	ssyncset.done $0x0  }
0x289: {  	s4 =	simm.s32 $0x5000;
	[sflag:s1] =	ssyncadd.s32 $0xFFFFD800  }
0x28a: {  	v14 =	vld.idx.msk [tilespmem:v0+s4+$0x80 ss:$0x1], $0xffff  }
0x28b: {  	v13 =	vld.idx.msk [tilespmem:v6+s4+$0x0 ss:$0x1], $0xffff  }
0x28c: {  	v15 =	vld.idx.msk [tilespmem:v7+s4+$0x0 ss:$0x1], $0xffff  }
0x28d: {  	v16 =	vld.idx.msk [tilespmem:v1+s4+$0xFFFFFF90 ss:$0x1], $0xffff  }
0x28e: {  	v17 =	vld.idx.msk [tilespmem:v8+s4+$0x0 ss:$0x1], $0xffff  }
0x28f: {  	v18 =	vld.idx.msk [tilespmem:v2+s4+$0x80 ss:$0x1], $0xffff  }
0x290: {  	v19 =	vld.idx.msk [tilespmem:v6+s4+$0xFFFFFF80 ss:$0x1], $0xffff  }
0x291: {  	v20 =	vld.idx.msk [tilespmem:v1+s4+$0x80 ss:$0x1], $0xffff  }
0x292: {  	v27 =	vld.idx.msk [tilespmem:v1+s4+$0x90 ss:$0x1], $0xffff  }
0x293: {  	v28 =	vld.idx.msk [tilespmem:v3+s4+$0x80 ss:$0x1], $0xffff  }
0x294: {  	v26 =	vld.idx.msk [tilespmem:v9+s4+$0x80 ss:$0x1], $0xffff  }
0x295: {  	v24 =	vld.idx.msk [tilespmem:v10+s4+$0x0 ss:$0x1], $0xffff  }
0x296: {  	v21 =	vld.idx.msk [tilespmem:v9+s4+$0x0 ss:$0x1], $0xffff  }
0x297: {  	v22 =	vld.idx.msk [tilespmem:v11+s4+$0xFFFFFF80 ss:$0x1], $0xffff  }
0x298: {  	v23 =	vld.idx.msk [tilespmem:v12+s4+$0x0 ss:$0x1], $0xffff  }
0x299: {  	v25 =	vld.idx.msk [tilespmem:v1+s4+$0xFFFFFF80 ss:$0x1], $0xffff  }
0x29a: {  	v29 =	vld.idx.msk [tilespmem:v1+s4+$0xFFFFFF00 ss:$0x1], $0xffff  }
0x29b: {  	v30 =	vld.idx.msk [tilespmem:v12+s4+$0xFFFFFF80 ss:$0x1], $0xffff  }
0x29c: {  	v31 =	vld.idx.msk [tilespmem:v4+s4+$0x80 ss:$0x1], $0xffff  }
0x29d: {  	v32 =	vld.idx.msk [tilespmem:v5+s4+$0x0 ss:$0x1], $0xffff  }
0x29e: {  	v33 =	vld.idx.msk [tilespmem:v3+s4+$0x0 ss:$0x1], $0xffff  }
0x29f: {  	v34 =	vld.idx.msk [tilespmem:v7+s4+$0xFFFFFF80 ss:$0x1], $0xffff  }
0x2a0: {  	v35 =	vld.idx.msk [tilespmem:v2+s4+$0x0 ss:$0x1], $0xffff  }
0x2a1: {  	v36 =	vld.idx.msk [tilespmem:v1+s4+$0xFFFFFF10 ss:$0x1], $0xffff  }
0x2a2: {  	v37 =	vld.idx.msk [tilespmem:v11+s4+$0x0 ss:$0x1], $0xffff  }
0x2a3: {  	v39 =	vld.idx.msk [tilespmem:v5+s4+$0xFFFFFF80 ss:$0x1], $0xffff  }
0x2a4: {  	v38 =	vld.idx.msk [tilespmem:v0+s4+$0x0 ss:$0x1], $0xffff  }
0x2a5: {  	v62 =	vld.idx.msk [tilespmem:v1+s4+$0x10 ss:$0x1], $0xffff  }
0x2a6: {  	v63 =	vld.idx.msk [tilespmem:v1+s4+$0x0 ss:$0x1], $0xffff  }
0x2a7: {  	s5 =	simm.s32 $0x0;
	v40 =	vld.idx.msk [tilespmem:v8+s4+$0xFFFFFF80 ss:$0x1], $0xffff  }
0x2a8: {  	v29 =	vld.idx.msk [tilespmem:v29+s5+$0x0], $0xffff  }
0x2a9: {  	v30 =	vld.idx.msk [tilespmem:v30+s5+$0x0], $0xffff  }
0x2aa: {  	v33 =	vld.idx.msk [tilespmem:v33+s5+$0x0], $0xffff  }
0x2ab: {  	v39 =	vld.idx.msk [tilespmem:v39+s5+$0x0], $0xffff  }
0x2ac: {  	v41 =	vld.idx.msk [tilespmem:v22+s5+$0x0], $0xffff  }
0x2ad: {  	s10 =	simm.s32 $0x2800;
	v42 =	vld.idx.msk [tilespmem:v21+s5+$0x0], $0xffff  }
0x2ae: {  	[tilespmem:v25+s10+$0x0] =	vst.idx.add.f32.msk $0xffff, v29  }
0x2af: {  	[tilespmem:v23+s10+$0x0] =	vst.idx.add.f32.msk $0xffff, v30  }
0x2b0: {  	v23 =	vld.idx.msk [tilespmem:v10+s4+$0xFFFFFF80 ss:$0x1], $0xffff  }
0x2b1: {  	v25 =	vld.idx.msk [tilespmem:v4+s4+$0x0 ss:$0x1], $0xffff  }
0x2b2: {  	v22 =	vld.idx.msk [tilespmem:v63+s5+$0x0], $0xffff  }
0x2b3: {  	v21 =	vld.idx.msk [tilespmem:v38+s5+$0x0], $0xffff  }
0x2b4: {  	v29 =	vld.idx.msk [tilespmem:v62+s5+$0x0], $0xffff  }
0x2b5: {  	[tilespmem:v32+s10+$0x0] =	vst.idx.add.f32.msk $0xffff, v39  }
0x2b6: {  	[tilespmem:v37+s10+$0x0] =	vst.idx.add.f32.msk $0xffff, v41  }
0x2b7: {  	[tilespmem:v26+s10+$0x0] =	vst.idx.add.f32.msk $0xffff, v42  }
0x2b8: {  	v43 =	vld.idx.msk [tilespmem:v23+s5+$0x0], $0xffff  }
0x2b9: {  	v23 =	vld.idx.msk [tilespmem:v25+s5+$0x0], $0xffff  }
0x2ba: {  	v26 =	vld.idx.msk [tilespmem:v36+s5+$0x0], $0xffff  }
0x2bb: {  	[tilespmem:v28+s10+$0x0] =	vst.idx.add.f32.msk $0xffff, v33  }
0x2bc: {  	[tilespmem:v27+s10+$0x0] =	vst.idx.add.f32.msk $0xffff, v29  }
0x2bd: {  	v25 =	vld.idx.msk [tilespmem:v35+s5+$0x0], $0xffff  }
0x2be: {  	[tilespmem:v31+s10+$0x0] =	vst.idx.add.f32.msk $0xffff, v23  }
0x2bf: {  	v23 =	vld.idx.msk [tilespmem:v40+s5+$0x0], $0xffff  }
0x2c0: {  	[tilespmem:v24+s10+$0x0] =	vst.idx.add.f32.msk $0xffff, v43  }
0x2c1: {  	s11 =	simm.s32 $0x0;
	v24 =	vld.idx.msk [tilespmem:v34+s5+$0x0], $0xffff  }
.LBB2_21:
0x2c2: {  	s11 =	sadd.s32 $0x10, s11;
	[tilespmem:v20+s10+$0x0] =	vst.idx.add.f32.msk $0xffff, v22;
	s4 =	sadd.s32 $0x200, s4  }
0x2c3: {  	p0 =	slt.u32 s11, $0x4D0;
	v19 =	vld.idx.msk [tilespmem:v19+s5+$0x0], $0xffff  }
0x2c4: {  	[tilespmem:v18+s10+$0x0] =	vst.idx.add.f32.msk $0xffff, v25  }
0x2c5: {  	[tilespmem:v17+s10+$0x0] =	vst.idx.add.f32.msk $0xffff, v23  }
0x2c6: {  	[tilespmem:v16+s10+$0x0] =	vst.idx.add.f32.msk $0xffff, v26  }
0x2c7: {  	[tilespmem:v15+s10+$0x0] =	vst.idx.add.f32.msk $0xffff, v24  }
0x2c8: {  	[tilespmem:v14+s10+$0x0] =	vst.idx.add.f32.msk $0xffff, v21  }
0x2c9: {  	[tilespmem:v13+s10+$0x0] =	vst.idx.add.f32.msk $0xffff, v19  }
0x2ca: {  	v14 =	vld.idx.msk [tilespmem:v0+s4+$0x80 ss:$0x1], $0xffff  }
0x2cb: {  	v13 =	vld.idx.msk [tilespmem:v6+s4+$0x0 ss:$0x1], $0xffff  }
0x2cc: {  	v15 =	vld.idx.msk [tilespmem:v7+s4+$0x0 ss:$0x1], $0xffff  }
0x2cd: {  	v16 =	vld.idx.msk [tilespmem:v1+s4+$0xFFFFFF90 ss:$0x1], $0xffff  }
0x2ce: {  	v17 =	vld.idx.msk [tilespmem:v8+s4+$0x0 ss:$0x1], $0xffff  }
0x2cf: {  	v18 =	vld.idx.msk [tilespmem:v2+s4+$0x80 ss:$0x1], $0xffff  }
0x2d0: {  	v19 =	vld.idx.msk [tilespmem:v6+s4+$0xFFFFFF80 ss:$0x1], $0xffff  }
0x2d1: {  	v20 =	vld.idx.msk [tilespmem:v1+s4+$0x80 ss:$0x1], $0xffff  }
0x2d2: {  	v27 =	vld.idx.msk [tilespmem:v1+s4+$0x90 ss:$0x1], $0xffff  }
0x2d3: {  	v28 =	vld.idx.msk [tilespmem:v3+s4+$0x80 ss:$0x1], $0xffff  }
0x2d4: {  	v26 =	vld.idx.msk [tilespmem:v9+s4+$0x80 ss:$0x1], $0xffff  }
0x2d5: {  	v24 =	vld.idx.msk [tilespmem:v10+s4+$0x0 ss:$0x1], $0xffff  }
0x2d6: {  	v21 =	vld.idx.msk [tilespmem:v9+s4+$0x0 ss:$0x1], $0xffff  }
0x2d7: {  	v22 =	vld.idx.msk [tilespmem:v11+s4+$0xFFFFFF80 ss:$0x1], $0xffff  }
0x2d8: {  	v23 =	vld.idx.msk [tilespmem:v12+s4+$0x0 ss:$0x1], $0xffff  }
0x2d9: {  	v25 =	vld.idx.msk [tilespmem:v1+s4+$0xFFFFFF80 ss:$0x1], $0xffff  }
0x2da: {  	v29 =	vld.idx.msk [tilespmem:v1+s4+$0xFFFFFF00 ss:$0x1], $0xffff  }
0x2db: {  	v30 =	vld.idx.msk [tilespmem:v12+s4+$0xFFFFFF80 ss:$0x1], $0xffff  }
0x2dc: {  	v31 =	vld.idx.msk [tilespmem:v4+s4+$0x80 ss:$0x1], $0xffff  }
0x2dd: {  	v32 =	vld.idx.msk [tilespmem:v5+s4+$0x0 ss:$0x1], $0xffff  }
0x2de: {  	v33 =	vld.idx.msk [tilespmem:v3+s4+$0x0 ss:$0x1], $0xffff  }
0x2df: {  	v34 =	vld.idx.msk [tilespmem:v7+s4+$0xFFFFFF80 ss:$0x1], $0xffff  }
0x2e0: {  	v35 =	vld.idx.msk [tilespmem:v2+s4+$0x0 ss:$0x1], $0xffff  }
0x2e1: {  	v36 =	vld.idx.msk [tilespmem:v1+s4+$0xFFFFFF10 ss:$0x1], $0xffff  }
0x2e2: {  	v29 =	vld.idx.msk [tilespmem:v29+s5+$0x0], $0xffff  }
0x2e3: {  	v30 =	vld.idx.msk [tilespmem:v30+s5+$0x0], $0xffff  }
0x2e4: {  	v37 =	vld.idx.msk [tilespmem:v11+s4+$0x0 ss:$0x1], $0xffff  }
0x2e5: {  	v38 =	vld.idx.msk [tilespmem:v0+s4+$0x0 ss:$0x1], $0xffff  }
0x2e6: {  	v33 =	vld.idx.msk [tilespmem:v33+s5+$0x0], $0xffff  }
0x2e7: {  	v39 =	vld.idx.msk [tilespmem:v5+s4+$0xFFFFFF80 ss:$0x1], $0xffff  }
0x2e8: {  	[tilespmem:v25+s10+$0x0] =	vst.idx.add.f32.msk $0xffff, v29  }
0x2e9: {  	[tilespmem:v23+s10+$0x0] =	vst.idx.add.f32.msk $0xffff, v30  }
0x2ea: {  	v23 =	vld.idx.msk [tilespmem:v10+s4+$0xFFFFFF80 ss:$0x1], $0xffff  }
0x2eb: {  	v25 =	vld.idx.msk [tilespmem:v4+s4+$0x0 ss:$0x1], $0xffff  }
0x2ec: {  	v29 =	vld.idx.msk [tilespmem:v1+s4+$0x10 ss:$0x1], $0xffff  }
0x2ed: {  	v30 =	vld.idx.msk [tilespmem:v1+s4+$0x0 ss:$0x1], $0xffff  }
0x2ee: {  	v40 =	vld.idx.msk [tilespmem:v8+s4+$0xFFFFFF80 ss:$0x1], $0xffff  }
0x2ef: {  	v39 =	vld.idx.msk [tilespmem:v39+s5+$0x0], $0xffff  }
0x2f0: {  	v41 =	vld.idx.msk [tilespmem:v22+s5+$0x0], $0xffff  }
0x2f1: {  	v42 =	vld.idx.msk [tilespmem:v21+s5+$0x0], $0xffff  }
0x2f2: {  	v43 =	vld.idx.msk [tilespmem:v23+s5+$0x0], $0xffff  }
0x2f3: {  	v23 =	vld.idx.msk [tilespmem:v25+s5+$0x0], $0xffff  }
0x2f4: {  	v29 =	vld.idx.msk [tilespmem:v29+s5+$0x0], $0xffff  }
0x2f5: {  	[tilespmem:v32+s10+$0x0] =	vst.idx.add.f32.msk $0xffff, v39  }
0x2f6: {  	v22 =	vld.idx.msk [tilespmem:v30+s5+$0x0], $0xffff  }
0x2f7: {  	[tilespmem:v37+s10+$0x0] =	vst.idx.add.f32.msk $0xffff, v41  }
0x2f8: {  	v21 =	vld.idx.msk [tilespmem:v38+s5+$0x0], $0xffff  }
0x2f9: {  	[tilespmem:v31+s10+$0x0] =	vst.idx.add.f32.msk $0xffff, v23  }
0x2fa: {  	v23 =	vld.idx.msk [tilespmem:v40+s5+$0x0], $0xffff  }
0x2fb: {  	[tilespmem:v24+s10+$0x0] =	vst.idx.add.f32.msk $0xffff, v43  }
0x2fc: {  	v24 =	vld.idx.msk [tilespmem:v34+s5+$0x0], $0xffff  }
.Ltmp10:
0x2fd: {  	v25 =	vld.idx.msk [tilespmem:v35+s5+$0x0], $0xffff;
	(pc) =	sbr.rel @p0 .LBB2_21-.Ltmp10, $4  }
0x2fe: {  	[tilespmem:v26+s10+$0x0] =	vst.idx.add.f32.msk $0xffff, v42  }
0x2ff: {  	v26 =	vld.idx.msk [tilespmem:v36+s5+$0x0], $0xffff  }
0x300: {  	[tilespmem:v28+s10+$0x0] =	vst.idx.add.f32.msk $0xffff, v33  }
0x301: {  	[tilespmem:v27+s10+$0x0] =	vst.idx.add.f32.msk $0xffff, v29  }
0x302: {  	_ =	sdelay $0x3  }
0x303: {  	[tilespmem:v20+s10+$0x0] =	vst.idx.add.f32.msk $0xffff, v22  }
0x304: {  	v0 =	vld.idx.msk [tilespmem:v19+s5+$0x0], $0xffff  }
0x305: {  	[tilespmem:v18+s10+$0x0] =	vst.idx.add.f32.msk $0xffff, v25  }
0x306: {  	[tilespmem:v17+s10+$0x0] =	vst.idx.add.f32.msk $0xffff, v23  }
0x307: {  	[tilespmem:v15+s10+$0x0] =	vst.idx.add.f32.msk $0xffff, v24  }
0x308: {  	[tilespmem:v14+s10+$0x0] =	vst.idx.add.f32.msk $0xffff, v21  }
0x309: {  	s4 =	sor.u32 $0x9C00, s7;
	[tilespmem:v16+s10+$0x0] =	vst.idx.add.f32.msk $0xffff, v26  }
0x30a: {  	s5 =	simm.s32 $0x0;
	s7 =	simm.s32 $0x2800;
	[tilespmem:v13+s10+$0x0] =	vst.idx.add.f32.msk $0xffff, v0;
	s10 =	simm.s32 $0x0  }
.LBB2_23:
0x30b: {  	s1 =	sand.u32 $0x3FFFFF00, s4  }
0x30c: {  	s11 =	sshra.s32 s10, $0x2;
	s1 =	sadd.s32 s1, s6  }
0x30d: {  	s1 =	sadd.s32 s11, s1  }
0x30e: {  	v0 =	vld [tilespmem:s1+$0x0];
	_ =	sdelay $0x4  }
0x30f: {  	v1 =	vld [tilespmem:s1+$0x80];
	_ =	sdelay $0x2  }
0x310: {  	p0 =	sne.s32 s10, $0x40;
	v0 =	vld.idx.msk [tilespmem:v0+s5+$0x0], $0xffff  }
.Ltmp11:
0x311: {  	_ = 	snop;
	(pc) =	sbr.rel @p0 .LBB2_23-.Ltmp11, $2  }
0x312: {  	_ =	sdelay $0x2  }
0x313: {  	s4 =	sadd.s32 $0x20, s4;
	s10 =	sadd.s32 $0x40, s10;
	[tilespmem:v1+s7+$0x0] =	vst.idx.add.f32.msk $0xffff, v0  }
0x314: {  	s1 =	simm.s32 $0x80  }
0x315: {  	s4 =	simm.s32 $0x400;
	s5 =	simm.s32 $0x2800;
	s24 =	simm.s32 $0x2  }
0x316: {  	[spmem:s8] =	stream.strided.scatter [tilespmem:s5], [sflag:$0x2], $0x2800, s4, s1, $0x38;
	[tilespmem:$0x14480] =	vst v63  }
0x317: {  	_ =	swait.ge [sflag:s24], $0x2800  }
0x318: {  	[sflag:s24] =	ssyncset.done $0x0  }
0x319: {  	s25 =	simm.s32 $0x1400;
	[sflag:s24] =	ssyncadd.s32 $0xFFFFD800  }
0x31a: {  	s26 =	simm.s32 $0x14000;
	s6 =	simm.s32 $0xEF80;
	[bflag:$0x0] =	sbarrier.arrive $0xFFFF  }
0x31b: {  	[tilespmem:s6], [sflag:$0x2] =	stream.strided.gather [spmem:s9], $0x2800, s26, s25, $0x38;
	[tilespmem:$0x14480] =	vst v63  }
0x31c: {  	s9 =	simm.s32 $0x0  }
0x31d: {  	_ =	swait.ge [sflag:s24], $0x2800;
	s5 =	sand.u32 $0x60, s9;
	s28 =	sand.u32 $0x1C00, s9  }
0x31e: {  	[sflag:s24] =	ssyncset.done $0x0;
	s29 =	sadd.s32 $0xEF80, s28;
	s8 =	sor.u32 $0x10, s5  }
0x31f: {  	[sflag:s24] =	ssyncadd.s32 $0xFFFFD800;
	s30 =	sor.u32 s8, s29  }
0x320: {  	v0 =	vld [tilespmem:s30+$0x0]  }
0x321: {  	s6 =	sor.u32 s5, s29;
	v1 =	vld [tilespmem:s30+$0x80]  }
0x322: {  	v2 =	vld [tilespmem:s6+$0x0]  }
0x323: {  	v3 =	vld [tilespmem:s30+$0x100]  }
0x324: {  	v4 =	vld [tilespmem:s6+$0x80]  }
0x325: {  	v5 =	vld [tilespmem:s30+$0x180]  }
0x326: {  	v6 =	vld [tilespmem:s6+$0x100]  }
0x327: {  	v7 =	vld [tilespmem:s30+$0x200]  }
0x328: {  	v8 =	vld [tilespmem:s6+$0x180]  }
0x329: {  	v9 =	vld [tilespmem:s30+$0x280]  }
0x32a: {  	v10 =	vld [tilespmem:s6+$0x200]  }
0x32b: {  	v11 =	vld [tilespmem:s30+$0x300]  }
0x32c: {  	v12 =	vld [tilespmem:s6+$0x280]  }
0x32d: {  	s7 =	sor.u32 $0x10380, s28;
	v13 =	vld [tilespmem:s30+$0x380]  }
0x32e: {  	s31 =	sor.u32 s8, s7;
	v14 =	vld [tilespmem:s6+$0x300]  }
0x32f: {  	v15 =	vld [tilespmem:s31+$0x0]  }
0x330: {  	s12 =	sadd.s32 $0x10480, s28;
	s11 =	sor.u32 s5, s7;
	v16 =	vld [tilespmem:s6+$0x380]  }
0x331: {  	s10 =	sadd.s32 $0x10400, s28;
	s13 =	sor.u32 s8, s12;
	v18 =	vld [tilespmem:s11+$0x0]  }
0x332: {  	s15 =	sadd.s32 $0x10500, s28;
	s14 =	sor.u32 s5, s10;
	v19 =	vld [tilespmem:s13+$0x0]  }
0x333: {  	s16 =	sor.u32 s8, s15;
	v20 =	vld [tilespmem:s14+$0x0]  }
0x334: {  	s18 =	sadd.s32 $0x10580, s28;
	s17 =	sor.u32 s5, s12;
	v21 =	vld [tilespmem:s16+$0x0]  }
0x335: {  	s19 =	sor.u32 s8, s18;
	v22 =	vld [tilespmem:s17+$0x0]  }
0x336: {  	s21 =	sadd.s32 $0x10600, s28;
	s20 =	sor.u32 s5, s15;
	v23 =	vld [tilespmem:s19+$0x0]  }
0x337: {  	s22 =	sor.u32 s8, s21;
	v24 =	vld [tilespmem:s20+$0x0]  }
0x338: {  	s23 =	sor.u32 s5, s18;
	v25 =	vld [tilespmem:s22+$0x0]  }
0x339: {  	s4 =	simm.s32 $0x20;
	s26 =	sor.u32 s5, s21;
	s29 =	simm.s32 $0x100;
	v26 =	vld [tilespmem:s23+$0x0]  }
0x33a: {  	s24 =	sadd.s32 $0x10680, s28;
	s6 =	sor.u32 s8, s10;
	v28 =	vld [tilespmem:s26+$0x0];
	s10 =	sand.u32 $0x1C00, s29  }
0x33b: {  	s25 =	sor.u32 s8, s24;
	v17 =	vld [tilespmem:s6+$0x0];
	s6 =	sand.u32 $0x60, s4;
	s31 =	sadd.s32 $0xEF80, s10  }
0x33c: {  	v27 =	vld [tilespmem:s25+$0x0];
	s13 =	sor.u32 s6, s31;
	v0 =	vadd.f32 v1, v0  }
0x33d: {  	s11 =	sadd.s32 $0x10700, s28;
	v49 =	vld [tilespmem:s13+$0x80];
	v1 =	vadd.f32 v4, v2  }
0x33e: {  	s7 =	sor.u32 s5, s24;
	s30 =	sor.u32 s5, s11;
	s5 =	sor.u32 $0x10, s6;
	v53 =	vld [tilespmem:s13+$0x200];
	v0 =	vadd.f32 v3, v0  }
0x33f: {  	s12 =	sor.u32 s5, s31;
	v57 =	vld [tilespmem:s13+$0x380];
	v1 =	vadd.f32 v6, v1  }
0x340: {  	v6 =	vld [tilespmem:s12+$0x0];
	v0 =	vadd.f32 v5, v0  }
0x341: {  	v1 =	vadd.f32 v8, v1;
	v5 =	vld [tilespmem:s12+$0x80]  }
0x342: {  	v50 =	vld [tilespmem:s12+$0x180];
	v0 =	vadd.f32 v7, v0  }
0x343: {  	v1 =	vadd.f32 v10, v1;
	v7 =	vld [tilespmem:s12+$0x100]  }
0x344: {  	v8 =	vld [tilespmem:s13+$0x0];
	v0 =	vadd.f32 v9, v0  }
0x345: {  	v51 =	vld [tilespmem:s12+$0x200];
	v1 =	vadd.f32 v12, v1  }
0x346: {  	v5 =	vadd.f32 v5, v6;
	v6 =	vld [tilespmem:s13+$0x100];
	v0 =	vadd.f32 v11, v0  }
0x347: {  	v52 =	vld [tilespmem:s12+$0x280];
	v1 =	vadd.f32 v14, v1  }
0x348: {  	v5 =	vadd.f32 v7, v5;
	v7 =	vld [tilespmem:s13+$0x180];
	v0 =	vadd.f32 v13, v0  }
0x349: {  	s14 =	sor.u32 $0x10380, s10;
	v54 =	vld [tilespmem:s12+$0x300];
	v8 =	vadd.f32 v49, v8;
	v1 =	vadd.f32 v16, v1  }
0x34a: {  	s15 =	sor.u32 s5, s14;
	v55 =	vld [tilespmem:s12+$0x380];
	v5 =	vadd.f32 v50, v5;
	v0 =	vadd.f32 v15, v0  }
0x34b: {  	s18 =	sadd.s32 $0x10480, s10;
	v56 =	vld [tilespmem:s15+$0x0];
	v1 =	vadd.f32 v18, v1;
	v6 =	vadd.f32 v6, v8  }
0x34c: {  	s19 =	sor.u32 s5, s18;
	v8 =	vld [tilespmem:s13+$0x280];
	v5 =	vadd.f32 v51, v5;
	v0 =	vadd.f32 v17, v0  }
0x34d: {  	v59 =	vld [tilespmem:s19+$0x0];
	v1 =	vadd.f32 v20, v1;
	v6 =	vadd.f32 v7, v6  }
0x34e: {  	s28 =	sor.u32 s8, s11;
	v7 =	vld [tilespmem:s13+$0x300];
	v5 =	vadd.f32 v52, v5;
	v0 =	vadd.f32 v19, v0  }
0x34f: {  	v2 =	vld [tilespmem:s28+$0x0];
	s12 =	sadd.s32 $0x10400, s10;
	v1 =	vadd.f32 v22, v1;
	v6 =	vadd.f32 v53, v6  }
0x350: {  	v4 =	vld [tilespmem:s7+$0x0];
	s16 =	sor.u32 s5, s12;
	v5 =	vadd.f32 v54, v5;
	v0 =	vadd.f32 v21, v0  }
0x351: {  	s17 =	sor.u32 s6, s14;
	v58 =	vld [tilespmem:s16+$0x0];
	v1 =	vadd.f32 v24, v1;
	v6 =	vadd.f32 v8, v6  }
0x352: {  	v8 =	vld [tilespmem:s17+$0x0];
	v5 =	vadd.f32 v55, v5;
	v0 =	vadd.f32 v23, v0  }
0x353: {  	s21 =	sadd.s32 $0x10500, s10;
	v3 =	vld [tilespmem:s30+$0x0];
	s20 =	sor.u32 s6, s12;
	v1 =	vadd.f32 v26, v1;
	v6 =	vadd.f32 v7, v6  }
0x354: {  	s22 =	sor.u32 s5, s21;
	v7 =	vld [tilespmem:s20+$0x0];
	v5 =	vadd.f32 v56, v5;
	v0 =	vadd.f32 v25, v0  }
0x355: {  	s24 =	sadd.s32 $0x10580, s10;
	s23 =	sor.u32 s6, s18;
	v60 =	vld [tilespmem:s22+$0x0];
	v1 =	vadd.f32 v28, v1;
	v6 =	vadd.f32 v57, v6  }
0x356: {  	v61 =	vld [tilespmem:s23+$0x0];
	s25 =	sor.u32 s5, s24;
	v5 =	vadd.f32 v58, v5;
	v62 =	vadd.f32 v27, v0  }
0x357: {  	v63 =	vld [tilespmem:s25+$0x0];
	s12 =	sor.u32 s6, s21;
	s13 =	sadd.s32 $0x10600, s10;
	v1 =	vadd.f32 v4, v1;
	v4 =	vadd.f32 v8, v6  }
0x358: {  	s11 =	sor.u32 s6, s24;
	s26 =	sor.u32 s5, s13;
	v0 =	vld [tilespmem:s12+$0x0];
	v5 =	vadd.f32 v59, v5;
	v6 =	vadd.f32 v2, v62  }
0x359: {  	s14 =	sadd.s32 $0x10680, s10;
	s7 =	simm.s32 $0x11780;
	s28 =	sand.u32 $0x380, s9;
	v8 =	vadd.f32 v3, v1;
	v1 =	vld [tilespmem:s26+$0x0];
	v4 =	vadd.f32 v7, v4  }
0x35a: {  	s9 =	simm.s32 $0x2;
	s29 =	sor.u32 s8, s28;
	s30 =	sor.u32 s5, s14;
	v2 =	vld [tilespmem:s11+$0x0];
	v5 =	vadd.f32 v60, v5  }
0x35b: {  	s8 =	simm.s32 $0x200;
	s31 =	sor.u32 s6, s13;
	s13 =	sadd.s32 $0x10700, s10;
	v3 =	vld [tilespmem:s30+$0x0];
	[tilespmem:s29+$0x11780] =	vst v6;
	v6 =	vadd.f32 v61, v4  }
0x35c: {  	s10 =	simm.s32 $0x40;
	s12 =	sor.u32 s6, s14;
	s14 =	sor.u32 s5, s13;
	[tilespmem:s7+$0x0] =	vst v8;
	v4 =	vld [tilespmem:s31+$0x0];
	v5 =	vadd.f32 v63, v5  }
.LBB2_25:
0x35d: {  	s11 =	sand.u32 $0x1C00, s8;
	v0 =	vadd.f32 v0, v6;
	s1 =	sor.u32 s6, s13;
	s6 =	sand.u32 $0x60, s10;
	v6 =	vld [tilespmem:s14+$0x0]  }
0x35e: {  	s9 =	sadd.s32 $0x2, s9;
	s13 =	sadd.s32 $0xEF80, s11;
	s14 =	sor.u32 $0x10, s6;
	v7 =	vld [tilespmem:s12+$0x0];
	v1 =	vadd.f32 v1, v5  }
0x35f: {  	p0 =	slt.u32 s9, $0x26;
	s12 =	sor.u32 s6, s13;
	s13 =	sor.u32 s14, s13;
	v0 =	vadd.f32 v2, v0;
	v2 =	vld [tilespmem:s1+$0x0]  }
0x360: {  	v5 =	vld [tilespmem:s13+$0x0];
	v1 =	vadd.f32 v3, v1  }
0x361: {  	v3 =	vld [tilespmem:s13+$0x80];
	v0 =	vadd.f32 v4, v0  }
0x362: {  	s1 =	sand.u32 $0x380, s4;
	s4 =	smov.u32 s10;
	v4 =	vld [tilespmem:s12+$0x0];
	v1 =	vadd.f32 v6, v1  }
0x363: {  	s1 =	sor.u32 s5, s1;
	s5 =	smov.u32 s14;
	v6 =	vld [tilespmem:s13+$0x100];
	v0 =	vadd.f32 v7, v0  }
0x364: {  	v7 =	vld [tilespmem:s12+$0x80];
	[tilespmem:s1+$0x11780] =	vst v1  }
0x365: {  	v1 =	vld [tilespmem:s13+$0x180];
	v0 =	vadd.f32 v2, v0  }
0x366: {  	s7 =	sadd.s32 $0x20, s7;
	v2 =	vld [tilespmem:s12+$0x100];
	v3 =	vadd.f32 v3, v5  }
0x367: {  	v5 =	vld [tilespmem:s13+$0x200];
	[tilespmem:s7+$0x0] =	vst v0  }
0x368: {  	v0 =	vld [tilespmem:s12+$0x180];
	v3 =	vadd.f32 v6, v3  }
0x369: {  	v4 =	vadd.f32 v7, v4;
	v6 =	vld [tilespmem:s13+$0x280]  }
0x36a: {  	v7 =	vld [tilespmem:s12+$0x200];
	v1 =	vadd.f32 v1, v3  }
0x36b: {  	v2 =	vadd.f32 v2, v4;
	v3 =	vld [tilespmem:s13+$0x300]  }
0x36c: {  	v4 =	vld [tilespmem:s12+$0x280];
	v1 =	vadd.f32 v5, v1  }
0x36d: {  	s1 =	sor.u32 $0x10380, s11;
	v0 =	vadd.f32 v0, v2;
	v2 =	vld [tilespmem:s13+$0x380]  }
0x36e: {  	s13 =	sor.u32 s6, s1;
	s1 =	sor.u32 s5, s1;
	v5 =	vld [tilespmem:s12+$0x300];
	v1 =	vadd.f32 v6, v1  }
0x36f: {  	s14 =	sadd.s32 $0x10400, s11;
	v0 =	vadd.f32 v7, v0;
	v6 =	vld [tilespmem:s1+$0x0]  }
0x370: {  	s1 =	sor.u32 s6, s14;
	v7 =	vld [tilespmem:s12+$0x380];
	v1 =	vadd.f32 v3, v1;
	s12 =	sor.u32 s5, s14  }
0x371: {  	s14 =	sadd.s32 $0x10480, s11;
	v0 =	vadd.f32 v4, v0;
	v3 =	vld [tilespmem:s12+$0x0]  }
0x372: {  	s12 =	sor.u32 s6, s14;
	v4 =	vld [tilespmem:s13+$0x0];
	v1 =	vadd.f32 v2, v1;
	s13 =	sor.u32 s5, s14  }
0x373: {  	s14 =	sadd.s32 $0x10500, s11;
	v0 =	vadd.f32 v5, v0;
	v2 =	vld [tilespmem:s13+$0x0]  }
0x374: {  	s13 =	sor.u32 s5, s14;
	v5 =	vld [tilespmem:s1+$0x0];
	s1 =	sor.u32 s6, s14;
	v1 =	vadd.f32 v6, v1  }
0x375: {  	s14 =	sadd.s32 $0x10580, s11;
	v0 =	vadd.f32 v7, v0;
	v6 =	vld [tilespmem:s13+$0x0]  }
0x376: {  	s13 =	sor.u32 s5, s14;
	v7 =	vld [tilespmem:s12+$0x0];
	s12 =	sor.u32 s6, s14;
	v1 =	vadd.f32 v3, v1  }
0x377: {  	s14 =	sadd.s32 $0x10600, s11;
	v3 =	vadd.f32 v4, v0;
	v8 =	vld [tilespmem:s13+$0x0]  }
.Ltmp12:
0x378: {  	s13 =	sor.u32 s5, s14;
	v0 =	vld [tilespmem:s1+$0x0];
	s1 =	sor.u32 s6, s14;
	v4 =	vadd.f32 v2, v1;
	(pc) =	sbr.rel @p0 .LBB2_25-.Ltmp12, $4  }
0x379: {  	s14 =	sadd.s32 $0x10680, s11;
	v3 =	vadd.f32 v5, v3;
	v1 =	vld [tilespmem:s13+$0x0]  }
0x37a: {  	v2 =	vld [tilespmem:s12+$0x0];
	s12 =	sor.u32 s6, s14;
	v5 =	vadd.f32 v6, v4;
	s14 =	sor.u32 s5, s14  }
0x37b: {  	s13 =	sadd.s32 $0x10700, s11;
	v6 =	vadd.f32 v7, v3;
	v3 =	vld [tilespmem:s14+$0x0]  }
0x37c: {  	s8 =	sadd.s32 $0x100, s8;
	s10 =	sadd.s32 $0x20, s10;
	s14 =	sor.u32 s5, s13;
	v4 =	vld [tilespmem:s1+$0x0];
	v5 =	vadd.f32 v8, v5  }
0x37d: {  	v0 =	vadd.f32 v0, v6  }
0x37e: {  	v62 =	vld [tilespmem:s12+$0x0]  }
0x37f: {  	s1 =	sor.u32 s6, s13;
	v7 =	vld [tilespmem:s14+$0x0];
	v0 =	vadd.f32 v2, v0  }
0x380: {  	v1 =	vadd.f32 v1, v5;
	v63 =	vld [tilespmem:s1+$0x0]  }
0x381: {  	v0 =	vadd.f32 v4, v0  }
0x382: {  	v1 =	vadd.f32 v3, v1  }
0x383: {  	v0 =	vadd.f32 v62, v0  }
0x384: {  	s25 =	sand.u32 $0x380, s4;
	v1 =	vadd.f32 v7, v1  }
0x385: {  	s1 =	sor.u32 s5, s25;
	v0 =	vadd.f32 v63, v0  }
0x386: {  	s26 =	sadd.s32 $0x20, s7;
	s28 =	sadd.s32 s2, s3;
	[tilespmem:s1+$0x11780] =	vst v1  }
0x387: {  	s29 =	simm.s32 $0x0;
	s30 =	simm.s32 $0x11780;
	s31 =	simm.s32 $0x2;
	[tilespmem:s26+$0x0] =	vst v0  }
0x388: {  	[hbm4b:s28+s29] =	stream.linear.scatter [tilespmem:s30], [sflag:$0x2], $0x280, $0x38;
	[tilespmem:$0x14480] =	vst v63  }
0x389: {  	_ =	swait.ge [sflag:s31], $0x280  }
0x38a: {  	[sflag:s31] =	ssyncset.done $0x0  }
0x38b: {  	[sflag:s31] =	ssyncadd.s32 $0xFFFFFD80  }
0x38c: {  	_ =	sfence.sel $0x180000  }
0x38d: {  	[bflag:$0x0] =	sbarrier.arrive $0xFFFF  }
0x38e: {  	_ =	strace $0x90000047  }
0x38f: {  	[bflag:$0x2] =	sbarrier.arrive $0xFFFF  }
0x390: {  	p0 =	sne.s32 s0, $0x0;
	s0 =	rddreg [dreg:$0x6]  }
0x391: {  	s0 =	sadd.s32 @!p0 $0x100000, s0  }
0x392: {  	[sflag:s0] =	ssyncadd.tile.s32 @!p0 $0x1;
	_ =	shalt  }
.Lfunc_end2:
_tile_overlayer_lowered:
.L_overlay_start_2:
0x393: {  	(tag) =	ssettag $0x2  }
0x394: {  	s0 =	rddreg [dreg:$0x0];
	s2 =	stileid.u32  }
0x395: {  	s1 =	rddreg [dreg:$0x1];
	p0 =	sne.s32 s2, $0x0  }
0x396: {  	s3 =	rddreg [dreg:$0x2];
	[bflag:$0x3] =	sbarrier.arrive $0xFFFF;
	s2 =	simm.s32 @!p0 $0x1C02  }
0x397: {  	[timem:s3], [sflag:s2] =	dma.local @!p0 [hbm:s0], s1  }
0x398: {  	s0 =	simm.s32 @!p0 $0x2  }
0x399: {  	_ =	swait.ge @!p0 [sflag:s0], s1  }
0x39a: {  	s1 =	ssub.s32 @!p0 $0x0, s1;
	[sflag:s0] =	ssyncset.done @!p0 $0x0  }
0x39b: {  	[sflag:s0] =	ssyncadd.s32 @!p0 s1  }
0x39c: {  	[bflag:$0x3] =	sbarrier.arrive $0xFFFF  }
0x39d: {  	_ =	shalt  }

</sc_bundles>
